<compile_context>
chip_gen: v7x
topology: tpu7x:2x2x1
jax: 0.10.2.dev20260603
libtpu: 0.0.44.dev20260713+nightly
codegen_flags: <defaults>
</compile_context>

<pallas_src>
import functools

import jax
import jax.numpy as jnp
from jax import lax
from jax.experimental import pallas as pl
from jax.experimental.pallas import tpu as pltpu
from jax.experimental.pallas import tpu_sc as plsc

B = 64
L = 8192
HIST = 50
FUSE_WEIGHT = 0.5

RPW = 8
NWORK = B // RPW

NK = 32
KB = L // NK


def _sc_gather1(attMap_e, meta):
    mesh = plsc.VectorSubcoreMesh(core_axis_name="c", subcore_axis_name="s")

    @functools.partial(
        pl.kernel,
        out_type=jax.ShapeDtypeStruct((B, L), jnp.float32),
        mesh=mesh,
        scratch_types=[
            pltpu.VMEM((16,), jnp.int32),
            pltpu.VMEM((16,), jnp.int32),
            pltpu.VMEM((16,), jnp.int32),
            pltpu.VMEM((16,), jnp.int32),
            pltpu.VMEM((RPW, L), jnp.float32),
            pltpu.SemaphoreType.DMA,
        ],
    )
    def gather_kernel(att_hbm, meta_hbm, out_hbm,
                      tl_v, fpos_v, ids_v, idx_v, rows_v, sem):
        wid = lax.axis_index("s") * 2 + lax.axis_index("c")

        @pl.when(wid < NWORK)
        def _():
            c = wid // 2
            h = (wid % 2) * RPW
            pltpu.sync_copy(meta_hbm.at[pl.ds(c * 16, 16)], tl_v)
            tl = tl_v[...]
            bvec = c * 16 + lax.iota(jnp.int32, 16)
            fpos_v[...] = B + (bvec * HIST + tl - 1) * 2 + 1
            pltpu.async_copy(meta_hbm.at[fpos_v], ids_v, sem).wait()
            idx_v[...] = ids_v[...] - 1
            pltpu.async_copy(att_hbm.at[idx_v.at[pl.ds(h, RPW)]], rows_v,
                             sem).wait()
            pltpu.sync_copy(rows_v, out_hbm.at[pl.ds(wid * RPW, RPW)])

    return gather_kernel(attMap_e, meta)


def _mm_body(meta_ref, att_ref, att_any, adj_ref, out_ref, mask_v, prob_v,
             sem_p):
    k = pl.program_id(0)

    @pl.when(k == 0)
    def _():
        rowio = lax.broadcasted_iota(jnp.int32, (B, 1), 0)

        def start(j, mvec):
            tl = meta_ref[j]
            pos2 = tl - 2 + HIST * jnp.maximum(2 - tl, 0)
            i2 = meta_ref[B + (j * HIST + pos2) * 2 + 1] - 1
            pltpu.make_async_copy(att_any.at[pl.ds(i2, 1), :],
                                  prob_v.at[pl.ds(j, 1), :], sem_p).start()
            return jnp.where(rowio == j, tl.astype(jnp.float32), mvec)

        tlvec = lax.fori_loop(0, B, start, jnp.zeros((B, 1), jnp.float32))
        mask_v[...] = (tlvec >= 2.0).astype(jnp.float32)
        pltpu.make_async_copy(att_any.at[pl.ds(0, B), :], prob_v, sem_p).wait()
        out_ref[...] = jnp.zeros_like(out_ref)

    a = prob_v[:, pl.ds(k * KB, KB)].astype(jnp.bfloat16)
    bm = att_ref[...].astype(jnp.bfloat16)
    out_ref[...] += jnp.dot(a, bm, preferred_element_type=jnp.float32)

    @pl.when(k == NK - 1)
    def _():
        acc = out_ref[...]
        mn2 = jnp.min(acc, axis=-1, keepdims=True)
        mx2 = jnp.max(acc, axis=-1, keepdims=True)
        p2 = (acc - mn2) / (mx2 - mn2)
        adj = adj_ref[...]
        wn = (adj - jnp.min(adj)) / (jnp.max(adj) - jnp.min(adj))
        out_ref[...] = mask_v[...] * (FUSE_WEIGHT * wn) * p2


def _tc_matmul(meta, attMap_e, adjust2):
    return pl.pallas_call(
        _mm_body,
        grid=(NK,),
        in_specs=[
            pl.BlockSpec(memory_space=pltpu.SMEM),
            pl.BlockSpec((KB, L), lambda k: (k, 0)),
            pl.BlockSpec(memory_space=pl.ANY),
            pl.BlockSpec((1, L), lambda k: (0, 0)),
        ],
        out_specs=pl.BlockSpec((B, L), lambda k: (0, 0)),
        out_shape=jax.ShapeDtypeStruct((B, L), jnp.float32),
        scratch_shapes=[
            pltpu.VMEM((B, 1), jnp.float32),
            pltpu.VMEM((B, L), jnp.float32),
            pltpu.SemaphoreType.DMA,
        ],
        compiler_params=pltpu.CompilerParams(
            vmem_limit_bytes=100 * 1024 * 1024,
        ),
    )(meta, attMap_e, attMap_e, adjust2)


def _combine_body(p1_ref, z_ref, out_ref):
    p1 = p1_ref[...]
    mn1 = jnp.min(p1, axis=-1, keepdims=True)
    mx1 = jnp.max(p1, axis=-1, keepdims=True)
    out_ref[...] = (p1 - mn1) / (mx1 - mn1) + z_ref[...]


def _tc_combine(prob1, z):
    return pl.pallas_call(
        _combine_body,
        out_shape=jax.ShapeDtypeStruct((B, L), jnp.float32),
    )(prob1, z)


def kernel(Final_output, attMap_e, adjust2, traj, traj_len):
    del Final_output
    meta = jnp.concatenate([traj_len.astype(jnp.int32),
                            traj.astype(jnp.int32).reshape(B * HIST * 2)])
    z = _tc_matmul(meta, attMap_e, adjust2)
    prob1 = _sc_gather1(attMap_e, meta)
    return _tc_combine(prob1, z)

# --- scband reference (transcript-rebuilt; emitter-appended) ---
"""Pipeline reference for scband-poi-trans-80642305950301 (READ-ONLY COPY).

The authoritative reference and input builder live on the scoring server;
editing this copy changes nothing except your own understanding.
"""

import jax, jax.numpy as jnp
import numpy as np

B = 64
L = 8192
HIST = 50
FUSE_WEIGHT = 0.5


def _max_min_rows(x):
    # per-row max_min (the torch loop applies max_min over each per-sample vector)
    mn = jnp.min(x, axis=-1, keepdims=True)
    mx = jnp.max(x, axis=-1, keepdims=True)
    return (x - mn) / (mx - mn)


def setup_inputs(seed: int = 0) -> dict:
    key = jax.random.key(seed)
    k1, k2, k3, k4, k5 = jax.random.split(key, 5)
    Final_output = jax.random.normal(k1, (B, L), dtype=jnp.float32)
    attMap_e = jax.random.uniform(k2, (L, L), dtype=jnp.float32)
    # POI ids are 1-indexed in the original code (traj[..,1] - 1), so sample in [1, L)
    traj = jax.random.randint(k3, (B, HIST, 2), 1, L)
    traj_len = jax.random.randint(k4, (B,), 1, HIST + 1)
    # adjust2: xavier_uniform with gain=1.414 on shape (1, L)
    a = 1.414 * np.sqrt(6.0 / (1.0 + L))
    adjust2 = jax.random.uniform(k5, (1, L), dtype=jnp.float32, minval=-a, maxval=a)
    return {"Final_output": Final_output, "attMap_e": attMap_e, "adjust2": adjust2, "traj": traj, "traj_len": traj_len}


def reference(Final_output, attMap_e, adjust2, traj, traj_len):
    rows = jnp.arange(Final_output.shape[0])
    # last visited POI -> first-hop transition probabilities
    idx1 = traj[rows, traj_len - 1, 1] - 1
    prob1 = jnp.take(attMap_e, idx1, axis=0)          # [B, L] gather
    y = _max_min_rows(prob1)
    # second-to-last POI -> two-hop transition probabilities (only if traj_len >= 2)
    idx2 = traj[rows, traj_len - 2, 1] - 1
    prob = jnp.take(attMap_e, idx2, axis=0)           # [B, L] gather
    prob2 = prob @ attMap_e                           # [B, L] @ [L, L]
    prob2_m = _max_min_rows(prob2)
    w = _max_min_rows(adjust2)                        # [1, L] (global min/max of adjust2)
    mask = (traj_len >= 2).astype(jnp.float32)[:, None]
    y = y + mask * FUSE_WEIGHT * (w * prob2_m)
    return y

if __name__ == "__main__":
    import jax
    _d = setup_inputs()
    print(jax.jit(kernel)(*tuple(_d.values())))

</pallas_src>

<mosaic_0001>
#map = affine_map<(d0, d1) -> (0, 0)>
#map1 = affine_map<(d0, d1) -> (0)>
module attributes {stable_mosaic.version = 14 : i64} {
  func.func @gather_kernel(%arg0: i32, %arg1: i32, %arg2: memref<8192x8192xf32, #tpu.memory_space<hbm>>, %arg3: memref<6464xi32, #tpu.memory_space<hbm>>, %arg4: memref<64x8192xf32, #tpu.memory_space<hbm>>, %arg5: memref<16xi32, #tpu.memory_space<vmem>>, %arg6: memref<16xi32, #tpu.memory_space<vmem>>, %arg7: memref<16xi32, #tpu.memory_space<vmem>>, %arg8: memref<16xi32, #tpu.memory_space<vmem>>, %arg9: memref<8x8192xf32, #tpu.memory_space<vmem>>, %arg10: memref<!tpu.dma_semaphore, #tpu.memory_space<semaphore_mem>>) attributes {dimension_semantics = [#tpu.dimension_semantics<core_parallel>, #tpu.dimension_semantics<subcore_parallel>], iteration_bounds = array<i64: 2, 16>, scalar_prefetch = 0 : i64, scratch_operands = 6 : i64, tpu.core_type = #tpu.core_type<sc_vector_subcore>, window_params = [{transform_indices = #map}, {transform_indices = #map1}, {transform_indices = #map}]} {
    %mul3A = arith.constant 2 : i32
    %mul3A_0 = arith.muli %arg1, %mul3A : i32
    %add3A = arith.addi %mul3A_0, %arg0 : i32
    %lt3A = arith.constant 8 : i32
    %lt3A_1 = arith.cmpi slt, %add3A, %lt3A : i32
    %convert_element_type3A = arith.extui %lt3A_1 : i1 to i32
    %cond3A = arith.constant 0 : i32
    %cond3A_2 = arith.cmpi ne, %convert_element_type3A, %cond3A : i32
    scf.if %cond3A_2 {
      %jit3A = arith.constant 2 : i32
      %div3A = arith.divsi %add3A, %jit3A : i32
      %sign3A = arith.constant 0 : i32
      %sign3A_3 = arith.cmpi sgt, %add3A, %sign3A : i32
      %sign3A_4 = arith.extui %sign3A_3 : i1 to i32
      %sign3A_5 = arith.constant 0 : i32
      %sign3A_6 = arith.cmpi slt, %add3A, %sign3A_5 : i32
      %sign3A_7 = arith.extui %sign3A_6 : i1 to i32
      %sign3A_8 = arith.subi %sign3A_4, %sign3A_7 : i32
      %sign3A_9 = arith.constant 0 : i32
      %sign3A_10 = arith.cmpi sgt, %jit3A, %sign3A_9 : i32
      %sign3A_11 = arith.extui %sign3A_10 : i1 to i32
      %sign3A_12 = arith.constant 0 : i32
      %sign3A_13 = arith.cmpi slt, %jit3A, %sign3A_12 : i32
      %sign3A_14 = arith.extui %sign3A_13 : i1 to i32
      %sign3A_15 = arith.subi %sign3A_11, %sign3A_14 : i32
      %ne3A = arith.cmpi ne, %sign3A_8, %sign3A_15 : i32
      %rem3A = arith.remsi %add3A, %jit3A : i32
      %ne3A_16 = arith.constant 0 : i32
      %ne3A_17 = arith.cmpi ne, %rem3A, %ne3A_16 : i32
      %and3A = arith.andi %ne3A, %ne3A_17 : i1
      %sub3A = arith.constant 1 : i32
      %sub3A_18 = arith.subi %div3A, %sub3A : i32
      %select_n3A = arith.select %and3A, %sub3A_18, %div3A : i32
      %jit3A_19 = arith.constant 2 : i32
      %eq3A = arith.constant 0 : i32
      %eq3A_20 = arith.cmpi eq, %jit3A_19, %eq3A : i32
      %jit3A_21 = arith.constant 1 : i32
      %select_n3A_22 = arith.select %eq3A_20, %jit3A_21, %jit3A_19 : i32
      %rem3A_23 = arith.remsi %add3A, %select_n3A_22 : i32
      %ne3A_24 = arith.constant 0 : i32
      %ne3A_25 = arith.cmpi ne, %rem3A_23, %ne3A_24 : i32
      %lt3A_26 = arith.constant 0 : i32
      %lt3A_27 = arith.cmpi slt, %rem3A_23, %lt3A_26 : i32
      %lt3A_28 = arith.constant 0 : i32
      %lt3A_29 = arith.cmpi slt, %select_n3A_22, %lt3A_28 : i32
      %ne3A_30 = arith.xori %lt3A_27, %lt3A_29 : i1
      %and3A_31 = arith.andi %ne3A_30, %ne3A_25 : i1
      %add3A_32 = arith.addi %rem3A_23, %select_n3A_22 : i32
      %select_n3A_33 = arith.select %and3A_31, %add3A_32, %rem3A_23 : i32
      %mul3A_34 = arith.constant 8 : i32
      %mul3A_35 = arith.muli %select_n3A_33, %mul3A_34 : i32
      %mul3A_36 = arith.constant 16 : i32
      %mul3A_37 = arith.muli %select_n3A, %mul3A_36 : i32
      "tpu.region"() ({
        %run_scoped3A = tpu.sem_alloc : memref<!tpu.dma_semaphore, #tpu.memory_space<semaphore_mem>>
        %dma_start3A_85 = tpu.memref_slice %arg3[%mul3A_37] : memref<6464xi32, #tpu.memory_space<hbm>> -> memref<16xi32, #tpu.memory_space<hbm>>
        %dma_start3A_86 = tpu.memref_slice %arg3[%mul3A_37] : memref<6464xi32, #tpu.memory_space<hbm>> -> memref<16xi32, #tpu.memory_space<hbm>>
        tpu.enqueue_dma source(%dma_start3A_86 : memref<16xi32, #tpu.memory_space<hbm>>) target(%arg5 : memref<16xi32, #tpu.memory_space<vmem>>) target_semaphore(%run_scoped3A : memref<!tpu.dma_semaphore, #tpu.memory_space<semaphore_mem>>)
        %dma_wait3A_87 = tpu.memref_slice %arg3[%mul3A_37] : memref<6464xi32, #tpu.memory_space<hbm>> -> memref<16xi32, #tpu.memory_space<hbm>>
        %dma_wait3A_88 = tpu.memref_slice %arg3[%mul3A_37] : memref<6464xi32, #tpu.memory_space<hbm>> -> memref<16xi32, #tpu.memory_space<hbm>>
        tpu.wait_dma2 semaphore(%run_scoped3A : memref<!tpu.dma_semaphore, #tpu.memory_space<semaphore_mem>>) src(%dma_wait3A_88 : memref<16xi32, #tpu.memory_space<hbm>>) dst(%arg5 : memref<16xi32, #tpu.memory_space<vmem>>)
        tpu.yield
      }) : () -> ()
      %get3A = arith.constant 0 : index
      %get3A_38 = tpu.vector_load %arg5[%get3A] {strides = array<i32>} : memref<16xi32, #tpu.memory_space<vmem>>, vector<16xi32>,
      %get3A_39 = vector.shape_cast %get3A_38 : vector<16xi32> to vector<16xi32>
      %mul3A_40 = arith.constant 16 : i32
      %mul3A_41 = arith.muli %select_n3A, %mul3A_40 : i32
      %iota3A = tpu.iota {dimensions = array<i32: 0>} : vector<16xi32>
      %add3A_42 = vector.broadcast %mul3A_41 : i32 to vector<16xi32>
      %add3A_43 = arith.addi %add3A_42, %iota3A : vector<16xi32>
      %mul3A_44 = arith.constant 50 : i32
      %mul3A_45 = vector.broadcast %mul3A_44 : i32 to vector<16xi32>
      %mul3A_46 = arith.muli %add3A_43, %mul3A_45 : vector<16xi32>
      %add3A_47 = arith.addi %mul3A_46, %get3A_39 : vector<16xi32>
      %sub3A_48 = arith.constant 1 : i32
      %sub3A_49 = vector.broadcast %sub3A_48 : i32 to vector<16xi32>
      %sub3A_50 = arith.subi %add3A_47, %sub3A_49 : vector<16xi32>
      %mul3A_51 = arith.constant 2 : i32
      %mul3A_52 = vector.broadcast %mul3A_51 : i32 to vector<16xi32>
      %mul3A_53 = arith.muli %sub3A_50, %mul3A_52 : vector<16xi32>
      %add3A_54 = arith.constant 64 : i32
      %add3A_55 = vector.broadcast %add3A_54 : i32 to vector<16xi32>
      %add3A_56 = arith.addi %add3A_55, %mul3A_53 : vector<16xi32>
      %add3A_57 = arith.constant 1 : i32
      %add3A_58 = vector.broadcast %add3A_57 : i32 to vector<16xi32>
      %add3A_59 = arith.addi %add3A_56, %add3A_58 : vector<16xi32>
      %swap3A = arith.constant 0 : index
      %swap3A_60 = tpu.vector_load %arg6[%swap3A] {strides = array<i32>} : memref<16xi32, #tpu.memory_space<vmem>>, vector<16xi32>,
      %swap3A_61 = vector.shape_cast %swap3A_60 : vector<16xi32> to vector<16xi32>
      %swap3A_62 = vector.shape_cast %add3A_59 : vector<16xi32> to vector<16xi32>
      tpu.vector_store %arg6[%swap3A], %swap3A_62 {strides = array<i32>} : memref<16xi32, #tpu.memory_space<vmem>>, vector<16xi32>,
      %dma_start3A = arith.constant 0 : i32
      %dma_start3A_63 = tpu.memref_slice %arg3[%dma_start3A] : memref<6464xi32, #tpu.memory_space<hbm>> -> memref<6464xi32, #tpu.memory_space<hbm>>
      tpu.enqueue_indirect_dma source(%dma_start3A_63 : memref<6464xi32, #tpu.memory_space<hbm>>) target(%arg7 : memref<16xi32, #tpu.memory_space<vmem>>) offsets(%arg6 : memref<16xi32, #tpu.memory_space<vmem>>) semaphore(%arg10 : memref<!tpu.dma_semaphore, #tpu.memory_space<semaphore_mem>>)
      %dma_wait3A = arith.constant 0 : i32
      %dma_wait3A_64 = tpu.memref_slice %arg3[%dma_wait3A] : memref<6464xi32, #tpu.memory_space<hbm>> -> memref<6464xi32, #tpu.memory_space<hbm>>
      tpu.wait_indirect_dma semaphore(%arg10 : memref<!tpu.dma_semaphore, #tpu.memory_space<semaphore_mem>>) src(%dma_wait3A_64 : memref<6464xi32, #tpu.memory_space<hbm>>) dst(%arg7 : memref<16xi32, #tpu.memory_space<vmem>>)
      %get3A_65 = arith.constant 0 : index
      %get3A_66 = tpu.vector_load %arg7[%get3A_65] {strides = array<i32>} : memref<16xi32, #tpu.memory_space<vmem>>, vector<16xi32>,
      %get3A_67 = vector.shape_cast %get3A_66 : vector<16xi32> to vector<16xi32>
      %sub3A_68 = arith.constant 1 : i32
      %sub3A_69 = vector.broadcast %sub3A_68 : i32 to vector<16xi32>
      %sub3A_70 = arith.subi %get3A_67, %sub3A_69 : vector<16xi32>
      %swap3A_71 = arith.constant 0 : index
      %swap3A_72 = tpu.vector_load %arg8[%swap3A_71] {strides = array<i32>} : memref<16xi32, #tpu.memory_space<vmem>>, vector<16xi32>,
      %swap3A_73 = vector.shape_cast %swap3A_72 : vector<16xi32> to vector<16xi32>
      %swap3A_74 = vector.shape_cast %sub3A_70 : vector<16xi32> to vector<16xi32>
      tpu.vector_store %arg8[%swap3A_71], %swap3A_74 {strides = array<i32>} : memref<16xi32, #tpu.memory_space<vmem>>, vector<16xi32>,
      %dma_start3A_75 = tpu.memref_slice %arg8[%mul3A_35] : memref<16xi32, #tpu.memory_space<vmem>> -> memref<8xi32, #tpu.memory_space<vmem>>
      %dma_start3A_76 = arith.constant 0 : i32
      %dma_start3A_77 = arith.constant 0 : i32
      %dma_start3A_78 = tpu.memref_slice %arg2[%dma_start3A_76, %dma_start3A_77] : memref<8192x8192xf32, #tpu.memory_space<hbm>> -> memref<8192x8192xf32, #tpu.memory_space<hbm>>
      tpu.enqueue_indirect_dma source(%dma_start3A_78 : memref<8192x8192xf32, #tpu.memory_space<hbm>>) target(%arg9 : memref<8x8192xf32, #tpu.memory_space<vmem>>) offsets(%dma_start3A_75 : memref<8xi32, #tpu.memory_space<vmem>>) semaphore(%arg10 : memref<!tpu.dma_semaphore, #tpu.memory_space<semaphore_mem>>)
      %dma_wait3A_79 = tpu.memref_slice %arg8[%mul3A_35] : memref<16xi32, #tpu.memory_space<vmem>> -> memref<8xi32, #tpu.memory_space<vmem>>
      %dma_wait3A_80 = arith.constant 0 : i32
      %dma_wait3A_81 = arith.constant 0 : i32
      %dma_wait3A_82 = tpu.memref_slice %arg2[%dma_wait3A_80, %dma_wait3A_81] : memref<8192x8192xf32, #tpu.memory_space<hbm>> -> memref<8192x8192xf32, #tpu.memory_space<hbm>>
      tpu.wait_indirect_dma semaphore(%arg10 : memref<!tpu.dma_semaphore, #tpu.memory_space<semaphore_mem>>) src(%dma_wait3A_82 : memref<8192x8192xf32, #tpu.memory_space<hbm>>) dst(%arg9 : memref<8x8192xf32, #tpu.memory_space<vmem>>)
      %mul3A_83 = arith.constant 8 : i32
      %mul3A_84 = arith.muli %add3A, %mul3A_83 : i32
      "tpu.region"() ({
        %run_scoped3A = tpu.sem_alloc : memref<!tpu.dma_semaphore, #tpu.memory_space<semaphore_mem>>
        %dma_start3A_85 = arith.constant 0 : i32
        %dma_start3A_86 = tpu.memref_slice %arg4[%mul3A_84, %dma_start3A_85] : memref<64x8192xf32, #tpu.memory_space<hbm>> -> memref<8x8192xf32, #tpu.memory_space<hbm>>
        %dma_start3A_87 = arith.constant 0 : i32
        %dma_start3A_88 = tpu.memref_slice %arg4[%mul3A_84, %dma_start3A_87] : memref<64x8192xf32, #tpu.memory_space<hbm>> -> memref<8x8192xf32, #tpu.memory_space<hbm>>
        tpu.enqueue_dma source(%arg9 : memref<8x8192xf32, #tpu.memory_space<vmem>>) target(%dma_start3A_88 : memref<8x8192xf32, #tpu.memory_space<hbm>>) target_semaphore(%run_scoped3A : memref<!tpu.dma_semaphore, #tpu.memory_space<semaphore_mem>>)
        %dma_wait3A_89 = arith.constant 0 : i32
        %dma_wait3A_90 = tpu.memref_slice %arg4[%mul3A_84, %dma_wait3A_89] : memref<64x8192xf32, #tpu.memory_space<hbm>> -> memref<8x8192xf32, #tpu.memory_space<hbm>>
        %dma_wait3A_91 = arith.constant 0 : i32
        %dma_wait3A_92 = tpu.memref_slice %arg4[%mul3A_84, %dma_wait3A_91] : memref<64x8192xf32, #tpu.memory_space<hbm>> -> memref<8x8192xf32, #tpu.memory_space<hbm>>
        tpu.wait_dma2 semaphore(%run_scoped3A : memref<!tpu.dma_semaphore, #tpu.memory_space<semaphore_mem>>) src(%arg9 : memref<8x8192xf32, #tpu.memory_space<vmem>>) dst(%dma_wait3A_92 : memref<8x8192xf32, #tpu.memory_space<hbm>>)
        tpu.yield
      }) : () -> ()
    } else {
    }
    return
  }
}

module attributes {stable_mosaic.version = 14 : i64} {
  func.func @_mm_body(%arg0: i32, %arg1: memref<6464xi32, #tpu.memory_space<smem>>, %arg2: memref<256x8192xf32, #tpu.memory_space<vmem>>, %arg3: memref<8192x8192xf32, #tpu.memory_space<any>>, %arg4: memref<1x8192xf32, #tpu.memory_space<vmem>>, %arg5: memref<64x8192xf32, #tpu.memory_space<vmem>>, %arg6: memref<64x1xf32, #tpu.memory_space<vmem>>, %arg7: memref<64x8192xf32, #tpu.memory_space<vmem>>, %arg8: memref<!tpu.dma_semaphore, #tpu.memory_space<semaphore_mem>>) attributes {dimension_semantics = [#tpu.dimension_semantics<arbitrary>], iteration_bounds = array<i64: 32>, scalar_prefetch = 0 : i64, scratch_operands = 3 : i64, tpu.core_type = #tpu.core_type<tc>, window_params = [{transform_indices = @transform_0, window_bounds = array<i64: 6464>}, {transform_indices = @transform_1, window_bounds = array<i64: 256, 8192>}, {}, {pipeline_mode = #tpu.pipeline_mode<synchronous>, transform_indices = @transform_3, window_bounds = array<i64: 1, 8192>}, {pipeline_mode = #tpu.pipeline_mode<synchronous>, transform_indices = @transform_4, window_bounds = array<i64: 64, 8192>}]} {
    %eq3A = arith.constant 0 : i32
    %eq3A_0 = arith.cmpi eq, %arg0, %eq3A : i32
    %convert_element_type3A = arith.extui %eq3A_0 : i1 to i32
    %cond3A = arith.constant 0 : i32
    %cond3A_1 = arith.cmpi ne, %convert_element_type3A, %cond3A : i32
    scf.if %cond3A_1 {
      %iota3A = tpu.iota {dimensions = array<i32: 0>} : vector<64x1xi32>
      %broadcast_in_dim3A = arith.constant 0.000000e+00 : f32
      %broadcast_in_dim3A_21 = vector.broadcast %broadcast_in_dim3A : f32 to vector<64x1xf32>
      %scan3A = arith.constant 0 : i32
      %scan3A_22 = arith.constant 64 : i32
      %scan3A_23 = arith.addi %scan3A, %scan3A_22 : i32
      %scan3A_24 = arith.constant 1 : i32
      %scan3A_25 = scf.for %scan3A_41 = %scan3A to %scan3A_23 step %scan3A_24 iter_args(%scan3A_42 = %broadcast_in_dim3A_21) -> (vector<64x1xf32>)  : i32 {
        %get3A_43 = arith.index_cast %scan3A_41 : i32 to index
        %get3A_44 = memref.load %arg1[%get3A_43] : memref<6464xi32, #tpu.memory_space<smem>>
        %sub3A = arith.constant 2 : i32
        %sub3A_45 = arith.subi %get3A_44, %sub3A : i32
        %sub3A_46 = arith.constant 2 : i32
        %sub3A_47 = arith.subi %sub3A_46, %get3A_44 : i32
        %max3A = arith.constant 0 : i32
        %max3A_48 = arith.maxsi %sub3A_47, %max3A : i32
        %mul3A_49 = arith.constant 50 : i32
        %mul3A_50 = arith.muli %mul3A_49, %max3A_48 : i32
        %add3A_51 = arith.addi %sub3A_45, %mul3A_50 : i32
        %mul3A_52 = arith.constant 50 : i32
        %mul3A_53 = arith.muli %scan3A_41, %mul3A_52 : i32
        %add3A_54 = arith.addi %mul3A_53, %add3A_51 : i32
        %mul3A_55 = arith.constant 2 : i32
        %mul3A_56 = arith.muli %add3A_54, %mul3A_55 : i32
        %add3A_57 = arith.constant 64 : i32
        %add3A_58 = arith.addi %add3A_57, %mul3A_56 : i32
        %add3A_59 = arith.constant 1 : i32
        %add3A_60 = arith.addi %add3A_58, %add3A_59 : i32
        %get3A_61 = arith.index_cast %add3A_60 : i32 to index
        %get3A_62 = memref.load %arg1[%get3A_61] : memref<6464xi32, #tpu.memory_space<smem>>
        %sub3A_63 = arith.constant 1 : i32
        %sub3A_64 = arith.subi %get3A_62, %sub3A_63 : i32
        %dma_start3A = arith.constant 0 : i32
        %dma_start3A_65 = tpu.memref_slice %arg7[%scan3A_41, %dma_start3A] : memref<64x8192xf32, #tpu.memory_space<vmem>> -> memref<1x8192xf32, #tpu.memory_space<vmem>>
        %dma_start3A_66 = arith.constant 0 : i32
        %dma_start3A_67 = tpu.memref_slice %arg3[%sub3A_64, %dma_start3A_66] : memref<8192x8192xf32, #tpu.memory_space<any>> -> memref<1x8192xf32, #tpu.memory_space<any>>
        tpu.enqueue_dma source(%dma_start3A_67 : memref<1x8192xf32, #tpu.memory_space<any>>) target(%dma_start3A_65 : memref<1x8192xf32, #tpu.memory_space<vmem>>) target_semaphore(%arg8 : memref<!tpu.dma_semaphore, #tpu.memory_space<semaphore_mem>>)
        %eq3A_68 = vector.broadcast %scan3A_41 : i32 to vector<64x1xi32>
        %eq3A_69 = arith.cmpi eq, %iota3A, %eq3A_68 : vector<64x1xi32>
        %convert_element_type3A_70 = arith.sitofp %get3A_44 : i32 to f32
        %broadcast_in_dim3A_71 = vector.broadcast %convert_element_type3A_70 : f32 to vector<64x1xf32>
        %select_n3A = arith.select %eq3A_69, %broadcast_in_dim3A_71, %scan3A_42 : vector<64x1xi1>, vector<64x1xf32>
        scf.yield %select_n3A : vector<64x1xf32>
      }
      %scan3A_26 = arith.constant 64 : i32
      %ge3A = arith.constant 2.000000e+00 : f32
      %ge3A_27 = vector.broadcast %ge3A : f32 to vector<64x1xf32>
      %ge3A_28 = arith.cmpf oge, %scan3A_25, %ge3A_27 : vector<64x1xf32>
      %convert_element_type3A_29 = arith.extui %ge3A_28 : vector<64x1xi1> to vector<64x1xi32>
      %convert_element_type3A_30 = arith.sitofp %convert_element_type3A_29 : vector<64x1xi32> to vector<64x1xf32>
      %swap3A_31 = arith.constant 0 : index
      %swap3A_32 = arith.constant 0 : index
      %swap3A_33 = vector.load %arg6[%swap3A_31, %swap3A_32] : memref<64x1xf32, #tpu.memory_space<vmem>>, vector<64x1xf32>
      tpu.vector_store %arg6[%swap3A_31, %swap3A_32], %convert_element_type3A_30 {strides = array<i32>} : memref<64x1xf32, #tpu.memory_space<vmem>>, vector<64x1xf32>,
      %dma_wait3A = arith.constant 0 : i32
      %dma_wait3A_34 = arith.constant 0 : i32
      %dma_wait3A_35 = tpu.memref_slice %arg3[%dma_wait3A, %dma_wait3A_34] : memref<8192x8192xf32, #tpu.memory_space<any>> -> memref<64x8192xf32, #tpu.memory_space<any>>
      tpu.wait_dma2 semaphore(%arg8 : memref<!tpu.dma_semaphore, #tpu.memory_space<semaphore_mem>>) src(%dma_wait3A_35 : memref<64x8192xf32, #tpu.memory_space<any>>) dst(%arg7 : memref<64x8192xf32, #tpu.memory_space<vmem>>)
      %broadcast_in_dim3A_36 = arith.constant 0.000000e+00 : f32
      %broadcast_in_dim3A_37 = vector.broadcast %broadcast_in_dim3A_36 : f32 to vector<64x8192xf32>
      %swap3A_38 = arith.constant 0 : index
      %swap3A_39 = arith.constant 0 : index
      %swap3A_40 = vector.load %arg5[%swap3A_38, %swap3A_39] : memref<64x8192xf32, #tpu.memory_space<vmem>>, vector<64x8192xf32>
      tpu.vector_store %arg5[%swap3A_38, %swap3A_39], %broadcast_in_dim3A_37 {strides = array<i32>} : memref<64x8192xf32, #tpu.memory_space<vmem>>, vector<64x8192xf32>,
    } else {
    }
    %mul3A = arith.constant 256 : i32
    %mul3A_2 = arith.muli %arg0, %mul3A : i32
    %get3A = arith.constant 0 : index
    %get3A_3 = arith.index_cast %mul3A_2 : i32 to index
    %get3A_4 = vector.load %arg7[%get3A, %get3A_3] : memref<64x8192xf32, #tpu.memory_space<vmem>>, vector<64x256xf32>
    %convert_element_type3A_5 = arith.truncf %get3A_4 : vector<64x256xf32> to vector<64x256xbf16>
    %get3A_6 = arith.constant 0 : index
    %get3A_7 = arith.constant 0 : index
    %get3A_8 = vector.load %arg2[%get3A_6, %get3A_7] : memref<256x8192xf32, #tpu.memory_space<vmem>>, vector<256x8192xf32>
    %convert_element_type3A_9 = arith.truncf %get3A_8 : vector<256x8192xf32> to vector<256x8192xbf16>
    %get3A_10 = arith.constant 0 : index
    %get3A_11 = arith.constant 0 : index
    %get3A_12 = vector.load %arg5[%get3A_10, %get3A_11] : memref<64x8192xf32, #tpu.memory_space<vmem>>, vector<64x8192xf32>
    %dot_general3A = arith.constant dense<0.000000e+00> : vector<64x8192xf32>
    %dot_general3A_13 = tpu.matmul %convert_element_type3A_5, %convert_element_type3A_9, %dot_general3A {dimension_numbers = #tpu.dot_dimension_numbers<[1], [0], [0], [1], [0, 0, 1, 1], [], []>, transpose_lhs_hint = false} : vector<64x256xbf16>, vector<256x8192xbf16>, vector<64x8192xf32> -> vector<64x8192xf32>
    %add3A = arith.addf %get3A_12, %dot_general3A_13 : vector<64x8192xf32>
    %swap3A = arith.constant 0 : index
    %swap3A_14 = arith.constant 0 : index
    %swap3A_15 = vector.load %arg5[%swap3A, %swap3A_14] : memref<64x8192xf32, #tpu.memory_space<vmem>>, vector<64x8192xf32>
    tpu.vector_store %arg5[%swap3A, %swap3A_14], %add3A {strides = array<i32>} : memref<64x8192xf32, #tpu.memory_space<vmem>>, vector<64x8192xf32>,
    %eq3A_16 = arith.constant 31 : i32
    %eq3A_17 = arith.cmpi eq, %arg0, %eq3A_16 : i32
    %convert_element_type3A_18 = arith.extui %eq3A_17 : i1 to i32
    %cond3A_19 = arith.constant 0 : i32
    %cond3A_20 = arith.cmpi ne, %convert_element_type3A_18, %cond3A_19 : i32
    scf.if %cond3A_20 {
      %get3A_21 = arith.constant 0 : index
      %get3A_22 = arith.constant 0 : index
      %get3A_23 = vector.load %arg5[%get3A_21, %get3A_22] : memref<64x8192xf32, #tpu.memory_space<vmem>>, vector<64x8192xf32>
      %reduce_min3A = arith.constant dense<0x7F800000> : vector<64xf32>
      %reduce_min3A_24 = vector.multi_reduction <minimumf>, %get3A_23, %reduce_min3A [1] : vector<64x8192xf32> to vector<64xf32>
      %broadcast_in_dim3A = vector.shape_cast %reduce_min3A_24 : vector<64xf32> to vector<64x1xf32>
      %reduce_max3A = arith.constant dense<0xFF800000> : vector<64xf32>
      %reduce_max3A_25 = vector.multi_reduction <maximumf>, %get3A_23, %reduce_max3A [1] : vector<64x8192xf32> to vector<64xf32>
      %broadcast_in_dim3A_26 = vector.shape_cast %reduce_max3A_25 : vector<64xf32> to vector<64x1xf32>
      %sub3A = vector.broadcast %broadcast_in_dim3A : vector<64x1xf32> to vector<64x8192xf32>
      %sub3A_27 = arith.subf %get3A_23, %sub3A : vector<64x8192xf32>
      %sub3A_28 = arith.subf %broadcast_in_dim3A_26, %broadcast_in_dim3A : vector<64x1xf32>
      %div3A = vector.broadcast %sub3A_28 : vector<64x1xf32> to vector<64x8192xf32>
      %div3A_29 = arith.divf %sub3A_27, %div3A : vector<64x8192xf32>
      %get3A_30 = arith.constant 0 : index
      %get3A_31 = arith.constant 0 : index
      %get3A_32 = vector.load %arg4[%get3A_30, %get3A_31] : memref<1x8192xf32, #tpu.memory_space<vmem>>, vector<1x8192xf32>
      %reduce_min3A_33 = vector.shape_cast %get3A_32 : vector<1x8192xf32> to vector<1x1x8192xf32>
      %reduce_min3A_34 = arith.constant dense<0x7F800000> : vector<1xf32>
      %reduce_min3A_35 = vector.multi_reduction <minimumf>, %reduce_min3A_33, %reduce_min3A_34 [1, 2] : vector<1x1x8192xf32> to vector<1xf32>
      %reduce_min3A_36 = vector.shape_cast %reduce_min3A_35 : vector<1xf32> to vector<1x1x1xf32>
      %reduce_min3A_37 = vector.extract %reduce_min3A_36[0, 0, 0] : f32 from vector<1x1x1xf32>
      %sub3A_38 = vector.broadcast %reduce_min3A_37 : f32 to vector<1x8192xf32>
      %sub3A_39 = arith.subf %get3A_32, %sub3A_38 : vector<1x8192xf32>
      %reduce_max3A_40 = vector.shape_cast %get3A_32 : vector<1x8192xf32> to vector<1x1x8192xf32>
      %reduce_max3A_41 = arith.constant dense<0xFF800000> : vector<1xf32>
      %reduce_max3A_42 = vector.multi_reduction <maximumf>, %reduce_max3A_40, %reduce_max3A_41 [1, 2] : vector<1x1x8192xf32> to vector<1xf32>
      %reduce_max3A_43 = vector.shape_cast %reduce_max3A_42 : vector<1xf32> to vector<1x1x1xf32>
      %reduce_max3A_44 = vector.extract %reduce_max3A_43[0, 0, 0] : f32 from vector<1x1x1xf32>
      %reduce_min3A_45 = vector.shape_cast %get3A_32 : vector<1x8192xf32> to vector<1x1x8192xf32>
      %reduce_min3A_46 = arith.constant dense<0x7F800000> : vector<1xf32>
      %reduce_min3A_47 = vector.multi_reduction <minimumf>, %reduce_min3A_45, %reduce_min3A_46 [1, 2] : vector<1x1x8192xf32> to vector<1xf32>
      %reduce_min3A_48 = vector.shape_cast %reduce_min3A_47 : vector<1xf32> to vector<1x1x1xf32>
      %reduce_min3A_49 = vector.extract %reduce_min3A_48[0, 0, 0] : f32 from vector<1x1x1xf32>
      %sub3A_50 = arith.subf %reduce_max3A_44, %reduce_min3A_49 : f32
      %div3A_51 = vector.broadcast %sub3A_50 : f32 to vector<1x8192xf32>
      %div3A_52 = arith.divf %sub3A_39, %div3A_51 : vector<1x8192xf32>
      %get3A_53 = arith.constant 0 : index
      %get3A_54 = arith.constant 0 : index
      %get3A_55 = vector.load %arg6[%get3A_53, %get3A_54] : memref<64x1xf32, #tpu.memory_space<vmem>>, vector<64x1xf32>
      %mul3A_56 = arith.constant 5.000000e-01 : f32
      %mul3A_57 = vector.broadcast %mul3A_56 : f32 to vector<1x8192xf32>
      %mul3A_58 = arith.mulf %mul3A_57, %div3A_52 : vector<1x8192xf32>
      %mul3A_59 = vector.broadcast %get3A_55 : vector<64x1xf32> to vector<64x8192xf32>
      %mul3A_60 = vector.broadcast %mul3A_58 : vector<1x8192xf32> to vector<64x8192xf32>
      %mul3A_61 = arith.mulf %mul3A_59, %mul3A_60 : vector<64x8192xf32>
      %mul3A_62 = arith.mulf %mul3A_61, %div3A_29 : vector<64x8192xf32>
      %swap3A_63 = arith.constant 0 : index
      %swap3A_64 = arith.constant 0 : index
      %swap3A_65 = vector.load %arg5[%swap3A_63, %swap3A_64] : memref<64x8192xf32, #tpu.memory_space<vmem>>, vector<64x8192xf32>
      tpu.vector_store %arg5[%swap3A_63, %swap3A_64], %mul3A_62 {strides = array<i32>} : memref<64x8192xf32, #tpu.memory_space<vmem>>, vector<64x8192xf32>,
    } else {
    }
    return
  }
  func.func @transform_0(%arg0: i32) -> i32 {
    %c0_i32 = arith.constant 0 : i32
    %c0_i32_0 = arith.constant 0 : i32
    return %c0_i32 : i32
  }
  func.func @transform_1(%arg0: i32) -> (i32, i32) {
    %c0_i32 = arith.constant 0 : i32
    %c0_i32_0 = arith.constant 0 : i32
    return %arg0, %c0_i32 : i32, i32
  }
  func.func @transform_3(%arg0: i32) -> (i32, i32) {
    %c0_i32 = arith.constant 0 : i32
    %c0_i32_0 = arith.constant 0 : i32
    %c0_i32_1 = arith.constant 0 : i32
    return %c0_i32, %c0_i32_0 : i32, i32
  }
  func.func @transform_4(%arg0: i32) -> (i32, i32) {
    %c0_i32 = arith.constant 0 : i32
    %c0_i32_0 = arith.constant 0 : i32
    %c0_i32_1 = arith.constant 0 : i32
    return %c0_i32, %c0_i32_0 : i32, i32
  }
}

module attributes {stable_mosaic.version = 14 : i64} {
  func.func @_combine_body(%arg0: memref<64x8192xf32, #tpu.memory_space<vmem>>, %arg1: memref<64x8192xf32, #tpu.memory_space<vmem>>, %arg2: memref<64x8192xf32, #tpu.memory_space<vmem>>) attributes {dimension_semantics = [], scalar_prefetch = 0 : i64, scratch_operands = 0 : i64, tpu.core_type = #tpu.core_type<tc>} {
    %get3A = arith.constant 0 : index
    %get3A_0 = arith.constant 0 : index
    %get3A_1 = vector.load %arg0[%get3A, %get3A_0] : memref<64x8192xf32, #tpu.memory_space<vmem>>, vector<64x8192xf32>
    %reduce_min3A = arith.constant dense<0x7F800000> : vector<64xf32>
    %reduce_min3A_2 = vector.multi_reduction <minimumf>, %get3A_1, %reduce_min3A [1] : vector<64x8192xf32> to vector<64xf32>
    %broadcast_in_dim3A = vector.shape_cast %reduce_min3A_2 : vector<64xf32> to vector<64x1xf32>
    %reduce_max3A = arith.constant dense<0xFF800000> : vector<64xf32>
    %reduce_max3A_3 = vector.multi_reduction <maximumf>, %get3A_1, %reduce_max3A [1] : vector<64x8192xf32> to vector<64xf32>
    %broadcast_in_dim3A_4 = vector.shape_cast %reduce_max3A_3 : vector<64xf32> to vector<64x1xf32>
    %sub3A = vector.broadcast %broadcast_in_dim3A : vector<64x1xf32> to vector<64x8192xf32>
    %sub3A_5 = arith.subf %get3A_1, %sub3A : vector<64x8192xf32>
    %sub3A_6 = arith.subf %broadcast_in_dim3A_4, %broadcast_in_dim3A : vector<64x1xf32>
    %div3A = vector.broadcast %sub3A_6 : vector<64x1xf32> to vector<64x8192xf32>
    %div3A_7 = arith.divf %sub3A_5, %div3A : vector<64x8192xf32>
    %get3A_8 = arith.constant 0 : index
    %get3A_9 = arith.constant 0 : index
    %get3A_10 = vector.load %arg1[%get3A_8, %get3A_9] : memref<64x8192xf32, #tpu.memory_space<vmem>>, vector<64x8192xf32>
    %add3A = arith.addf %div3A_7, %get3A_10 : vector<64x8192xf32>
    %swap3A = arith.constant 0 : index
    %swap3A_11 = arith.constant 0 : index
    %swap3A_12 = vector.load %arg2[%swap3A, %swap3A_11] : memref<64x8192xf32, #tpu.memory_space<vmem>>, vector<64x8192xf32>
    tpu.vector_store %arg2[%swap3A, %swap3A_11], %add3A {strides = array<i32>} : memref<64x8192xf32, #tpu.memory_space<vmem>>, vector<64x8192xf32>,
    return
  }
}

</mosaic_0001>

<sc_bundles>
// kernel: kernel.5.cloned.1.call-start
scs
__scs_entry_jumppad:
0x0: {  	(pc) =	sbr.rel $0x88, $3  }
0x1: {  	(tag) =	ssettag $0x0;
	lr =	simm.s32 $0x1  }
0x2: {  	[smem:$0x3F9D] =	sst lr;
	_ =	strace $0xD0000000  }
0x3: {  	_ = 	snop  }
0x4: {  	_ = 	snop  }
0x5: {  	_ = 	snop  }
0x6: {  	_ = 	snop  }
0x7: {  	_ = 	snop  }
__scs_overlays_trampoline_lowered:
0x8: {  	[smem:$0x3FAC] =	sst s0  }
0x9: {  	[smem:$0x3FAD] =	sst s1  }
0xa: {  	[smem:$0x3FAE] =	sst s2  }
0xb: {  	[smem:$0x3FAF] =	sst s3  }
0xc: {  	[smem:$0x3FB0] =	sst s4  }
0xd: {  	[smem:$0x3FB1] =	sst s5  }
0xe: {  	[smem:$0x3FB2] =	sst s6  }
0xf: {  	[smem:$0x3FB3] =	sst s7  }
0x10: {  	[smem:$0x3FB4] =	sst s8  }
0x11: {  	[smem:$0x3FB5] =	sst s9;
	s0 =	simm.s32 @!p0 $0x0  }
0x12: {  	s1 =	sld [smem:$0x3F9B];
	s0 =	simm.s32 @p0 $0x1  }
0x13: {  	[smem:$0x3FB6] =	sst s0;
	s0 =	simm.s32 @!p1 $0x0  }
0x14: {  	s2 =	sld [smem:$0x3F9A];
	s0 =	simm.s32 @p1 $0x1  }
0x15: {  	[smem:$0x3FB7] =	sst s0;
	s0 =	simm.s32 @!p2 $0x0  }
0x16: {  	s3 =	sld [smem:$0x3FDB];
	s0 =	simm.s32 @p2 $0x1  }
0x17: {  	s4 =	simm.s32 $0x1BF5;
	[smem:$0x3FB9] =	sst s0  }
0x18: {  	s0 =	sld [smem:$0x3F9C];
	_ =	swait.ge [sflag:s4], $0x0  }
0x19: {  	s7 =	sld [smem:$0x3F9D]  }
0x1a: {  	s8 =	sadd.s32 $0xFFFFE003, lr  }
0x1b: {  	s9 =	sadd.s32 $0xFFFFFEF7, lr;
	s5 =	simm.s32 $0xFFFFFFFF;
	p2 =	slt.u32 s8, $0xFFFFF086  }
0x1c: {  	p1 =	slt.u32 s9, $0xF7A;
	s5 =	simm.s32 @!p2 $0x0  }
0x1d: {  	s5 =	simm.s32 @p1 $0x1;
	p0 =	seq.s32 s7, s2  }
0x1e: {  	s7 =	smul.u32 @!p0 $0xF7A, s2;
	p2 =	seq.s32 @!p0 s5, $0x0  }
0x1f: {  	s9 =	smul.u32 $0xF7A, s1;
	s8 =	simm.s32 @!p0 $0x1BF5;
	p2 =	por !p2, p0  }
0x20: {  	[sflag:s8] =	ssyncset.s32 @!p0 $0xFFFFF086;
	s6 =	sadd.s32 @!p0 s3, s7;
	s7 =	simm.s32 @!p0 $0x108  }
0x21: {  	s3 =	sadd.s32 s3, s9;
	s6 =	sadd.s32 @!p0 $0x88, s6;
	s7 =	simm.s32 @p2 $0x1082  }
0x22: {  	[simem:s7], [sflag:s8] =	dma.local @!p0 [hbm:s6], $0xF7A  }
0x23: {  	s9 =	sor.u32 $0xD0000000, s2;
	s6 =	simm.s32 $0x108;
	_ =	swait.ge @!p0 [sflag:s8], $0x0  }
0x24: {  	s3 =	sadd.s32 $0x88, s3;
	s6 =	simm.s32 @!p1 $0x1082;
	[sflag:s4] =	ssyncset.s32 $0xFFFFF086  }
0x25: {  	[simem:s6], [sflag:s4] =	dma.local [hbm:s3], $0xF7A  }
0x26: {  	[smem:$0x3F9D] =	sst s1;
	(tag) =	ssettag s2;
	_ =	strace s9  }
0x27: {  	s1 =	sld [smem:$0x3FAD]  }
0x28: {  	s2 =	sld [smem:$0x3FAE]  }
0x29: {  	s4 =	sld [smem:$0x3FB0]  }
0x2a: {  	p0 =	seq.s32 s5, $0x0;
	s5 =	sld [smem:$0x3FB1]  }
0x2b: {  	s6 =	sld [smem:$0x3FB2]  }
0x2c: {  	s7 =	sld [smem:$0x3FB3]  }
0x2d: {  	s3 =	simm.s32 $0x108;
	s8 =	sld [smem:$0x3FB4]  }
0x2e: {  	s3 =	simm.s32 @!p0 $0x1082;
	s9 =	sld [smem:$0x3FB5]  }
0x2f: {  	lr =	sadd.s32 s0, s3;
	s0 =	sld [smem:$0x3FAC]  }
0x30: {  	s3 =	sld [smem:$0x3FAF]  }
0x31: {  	[smem:$0x3FB8] =	sst s10  }
0x32: {  	s10 =	sld [smem:$0x3FB6];
	_ =	sdelay $0x3  }
0x33: {  	p0 =	seq.s32 s10, $0x1;
	s10 =	sld [smem:$0x3FB8];
	_ =	sdelay $0x3  }
0x34: {  	[smem:$0x3FB8] =	sst s10  }
0x35: {  	s10 =	sld [smem:$0x3FB7];
	_ =	sdelay $0x3  }
0x36: {  	p1 =	seq.s32 s10, $0x1;
	s10 =	sld [smem:$0x3FB8];
	_ =	sdelay $0x3  }
0x37: {  	[smem:$0x3FB8] =	sst s10  }
0x38: {  	s10 =	sld [smem:$0x3FB9]  }
0x39: {  	_ = 	snop;
	(pc) =	sbr.ind lr, $3  }
0x3a: {  	_ = 	snop  }
0x3b: {  	_ = 	snop  }
0x3c: {  	p2 =	seq.s32 s10, $0x1;
	s10 =	sld [smem:$0x3FB8]  }
0x3d: {  	_ =	shalt  }
0x3e: {  	_ =	shalt  }
0x3f: {  	_ =	shalt  }
0x40: {  	_ =	shalt  }
0x41: {  	_ =	shalt  }
0x42: {  	_ =	shalt  }
0x43: {  	_ =	shalt  }
0x44: {  	_ =	shalt  }
0x45: {  	_ =	shalt  }
0x46: {  	_ =	shalt  }
0x47: {  	_ =	shalt  }
0x48: {  	_ =	shalt  }
0x49: {  	_ =	shalt  }
0x4a: {  	_ =	shalt  }
0x4b: {  	_ =	shalt  }
0x4c: {  	_ =	shalt  }
0x4d: {  	_ =	shalt  }
0x4e: {  	_ =	shalt  }
0x4f: {  	_ =	shalt  }
0x50: {  	_ =	shalt  }
0x51: {  	_ =	shalt  }
0x52: {  	_ =	shalt  }
0x53: {  	_ =	shalt  }
0x54: {  	_ =	shalt  }
0x55: {  	_ =	shalt  }
0x56: {  	_ =	shalt  }
0x57: {  	_ =	shalt  }
0x58: {  	_ =	shalt  }
0x59: {  	_ =	shalt  }
0x5a: {  	_ =	shalt  }
0x5b: {  	_ =	shalt  }
0x5c: {  	_ =	shalt  }
0x5d: {  	_ =	shalt  }
0x5e: {  	_ =	shalt  }
0x5f: {  	_ =	shalt  }
0x60: {  	_ =	shalt  }
0x61: {  	_ =	shalt  }
0x62: {  	_ =	shalt  }
0x63: {  	_ =	shalt  }
0x64: {  	_ =	shalt  }
0x65: {  	_ =	shalt  }
0x66: {  	_ =	shalt  }
0x67: {  	_ =	shalt  }
0x68: {  	_ =	shalt  }
0x69: {  	_ =	shalt  }
0x6a: {  	_ =	shalt  }
0x6b: {  	_ =	shalt  }
0x6c: {  	_ =	shalt  }
0x6d: {  	_ =	shalt  }
0x6e: {  	_ =	shalt  }
0x6f: {  	_ =	shalt  }
0x70: {  	_ =	shalt  }
0x71: {  	_ =	shalt  }
0x72: {  	_ =	shalt  }
0x73: {  	_ =	shalt  }
0x74: {  	_ =	shalt  }
0x75: {  	_ =	shalt  }
0x76: {  	_ =	shalt  }
0x77: {  	_ =	shalt  }
0x78: {  	_ =	shalt  }
0x79: {  	_ =	shalt  }
0x7a: {  	_ =	shalt  }
0x7b: {  	_ =	shalt  }
0x7c: {  	_ =	shalt  }
0x7d: {  	_ =	shalt  }
0x7e: {  	_ =	shalt  }
0x7f: {  	_ =	shalt  }
0x80: {  	_ =	shalt  }
0x81: {  	_ =	shalt  }
0x82: {  	_ =	shalt  }
0x83: {  	_ =	shalt  }
0x84: {  	_ =	shalt  }
0x85: {  	_ =	shalt  }
0x86: {  	_ =	shalt  }
0x87: {  	_ =	shalt  }
.Lfunc_end0:
.L_simem_size_0:
called_computation_lowered:
.L_overlay_start_0:
0x88: {  	s2 =	sld [smem:$0x3FD9]  }
0x89: {  	s3 =	sld [smem:$0x3FFE];
	_ =	sdelay $0x1  }
0x8a: {  	s1 =	srdreg.scid  }
0x8b: {  	s0 =	sand.u32 $0x1, s1  }
0x8c: {  	s17 =	sshll.u32 s0, $0xA;
	s2 =	sadd.s32 s3, s2  }
0x8d: {  	s2 =	sadd.s32 s2, s17  }
0x8e: {  	[smem:$0x3FC4] =	sst s2  }
0x8f: {  	_ = 	snop  }
0x90: {  	s2 =	sld [smem:$0x3FC9];
	(tm) =	ssettm $0x1  }
0x91: {  	s18 =	sld [smem:$0x3FFB];
	_ =	sdelay $0x3  }
0x92: {  	_ =	strace s18  }
0x93: {  	s3 =	sld [smem:$0x3FFC];
	_ =	sdelay $0x3  }
0x94: {  	_ =	strace s3  }
0x95: {  	s3 =	sld [smem:$0x3FFD];
	_ =	sdelay $0x3  }
0x96: {  	_ =	strace s3  }
0x97: {  	_ =	strace $0x8FFFFFFF  }
0x98: {  	s19 =	sld [smem:$0x3FDB];
	_ =	sdelay $0x1  }
0x99: {  	s4 =	simm.s32 $_scs_section_size  }
0x9a: {  	s5 =	simm.s32 $_size__tile_overlayer_lowered;
	s6 =	simm.s32 $_tile_overlayer_lowered  }
0x9b: {  	s22 =	simm.s32 $0x1BFF;
	s21 =	sshll.u32 s6, $0x1;
	s3 =	sadd.s32 s4, s19  }
0x9c: {  	s7 =	simm.s32 $0x0;
	s20 =	sshll.u32 s5, $0x1;
	s5 =	sadd.s32 s21, s3  }
0x9d: {  	[timem:s7], [sflag:s22] =	dma.local [hbm:s5], s20  }
0x9e: {  	_ =	swait.ge [sflag:s22], s20  }
0x9f: {  	s4 =	ssub.s32 $0x0, s20;
	[sflag:s22] =	ssyncset.done $0x0  }
0xa0: {  	[sflag:s22] =	ssyncadd.s32 s4;
	_ =	sdelay $0x1  }
0xa1: {  	s23 =	simm.s32 $0x1B8B  }
0xa2: {  	_ =	swait.ge [sflag:s23], $0x1  }
0xa3: {  	[sflag:s23] =	ssyncset.done $0x0  }
0xa4: {  	s25 =	simm.s32 $0x1B8E;
	s24 =	sld [smem:$0x3FFE];
	[sflag:s23] =	ssyncadd.s32 $0xFFFFFFFF  }
0xa5: {  	s26 =	simm.s32 $execute0_lowered;
	[smem:$0x3FD2] =	sst s25  }
0xa6: {  	s5 =	sshll.u32 s26, $0x1;
	_ =	strace $0x80000046;
	[dreg:$0x1] =	wrdreg $0xFFFFFFFF  }
0xa7: {  	s28 =	simm.s32 $_size_execute0_lowered;
	s3 =	sadd.s32 s3, s5;
	[dreg:$0x0] =	wrdreg $0x0  }
0xa8: {  	s5 =	sshll.u32 s28, $0x1;
	[dreg:$0x2] =	wrdreg s3  }
0xa9: {  	[dreg:$0x3] =	wrdreg s5  }
0xaa: {  	[dreg:$0x4] =	wrdreg $0xC0  }
0xab: {  	_ =	task [dreg:s7], $0x5FFFF  }
0xac: {  	[dreg:$0x1] =	wrdreg $0xFFFFFFFF  }
0xad: {  	[dreg:$0x0] =	wrdreg $0x60  }
0xae: {  	[dreg:$0x2] =	wrdreg s2  }
0xaf: {  	[dreg:$0x3] =	wrdreg s24  }
0xb0: {  	[dreg:$0x4] =	wrdreg $0x9  }
0xb1: {  	_ =	task.clear_ibuf [dreg:s7], $0x5FFFF;
	_ =	strace $0x90000046  }
0xb2: {  	s29 =	simm.s32 $0x9;
	_ =	strace $0x80000048  }
0xb3: {  	_ =	swait.ge [sflag:s29], $0x1  }
0xb4: {  	[sflag:s29] =	ssyncadd.s32 $0xFFFFFFFF  }
0xb5: {  	_ =	strace $0x90000048  }
0xb6: {  	_ =	sfence  }
0xb7: {  	s30 =	sld [smem:$0x0];
	_ =	sdelay $0x2  }
0xb8: {  	s31 =	sshll.u32 s1, $0xD;
	s1 =	sshrl.u32 s1, $0x2  }
0xb9: {  	s3 =	sand.u32 $0x4000, s31;
	s1 =	sadd.s32 s1, s30  }
0xba: {  	s0 =	sor.u32 s3, s0;
	s1 =	sshll.u32 s1, $0x11  }
0xbb: {  	s0 =	sor.u32 s1, s0  }
0xbc: {  	s0 =	sadd.s32 $0x8F2B, s0  }
0xbd: {  	[sflag:s0] =	ssyncadd.remote.s32 $0x1  }
0xbe: {  	_ =	sfence.sel $0xFFFF  }
0xbf: {  	[dreg:$0x0] =	wrdreg $0xFFFFFFFF;
	(pc) =	sbr.abs _section_cstart, $3  }
0xc0: {  	[dreg:$0x1] =	wrdreg $0xFFFFFFFF  }
0xc1: {  	_ =	task.clear_ibuf [dreg:s7], $0x2FFFF;
	_ =	strace $0x9FFFFFFF  }
0xc2: {  	(tm) =	ssettm $0x7FFFFFFF  }
0xc3: {  	_ =	shalt  }
tec
execute0_lowered:
.L_overlay_start_1:
0x0: {  	(tag) =	ssettag $0x1  }
0x1: {  	s10 =	stileid.u32  }
0x2: {  	p0 =	sgt.u32 s10, $0x3  }
.Ltmp0:
0x3: {  	_ = 	snop;
	(pc) =	sbr.rel @p0 .LBB2_8-.Ltmp0, $4  }
0x4: {  	s15 =	rddreg [dreg:$0x0]  }
0x5: {  	s4 =	rddreg [dreg:$0x1];
	s2 =	simm.s32 $0x0  }
0x6: {  	[smem:$0x7FF] =	sst s2  }
0x7: {  	s9 =	rddreg [dreg:$0x2];
	_ =	strace $0x80000047  }
0x8: {  	s3 =	sadd.s32 $0x100, s15  }
0x9: {  	s5 =	sadd.s32 $0x200, s15;
	[dreg:$0x4] =	wrdreg s3  }
0xa: {  	s6 =	sadd.s32 $0x300, s15;
	[dreg:$0x5] =	wrdreg s5  }
0xb: {  	s7 =	sadd.s32 $0x400, s15;
	[dreg:$0x6] =	wrdreg s6  }
0xc: {  	s8 =	sadd.s32 $0x500, s15;
	[dreg:$0x7] =	wrdreg s7  }
0xd: {  	s11 =	sadd.s32 $0x600, s15;
	[dreg:$0x8] =	wrdreg s8  }
0xe: {  	s12 =	sadd.s32 $0x700, s15;
	[dreg:$0x9] =	wrdreg s11  }
0xf: {  	s13 =	sadd.s32 $0x800, s15;
	[dreg:$0xa] =	wrdreg s12  }
0x10: {  	s14 =	sadd.s32 $0x900, s15;
	[dreg:$0xb] =	wrdreg s13  }
0x11: {  	s16 =	sadd.s32 $0xA00, s15;
	[dreg:$0xc] =	wrdreg s14  }
0x12: {  	s17 =	sadd.s32 $0xB00, s15;
	[dreg:$0xd] =	wrdreg s16  }
0x13: {  	s18 =	sadd.s32 $0xC00, s15;
	[dreg:$0xe] =	wrdreg s17  }
0x14: {  	s19 =	sadd.s32 $0xD00, s15;
	[dreg:$0xf] =	wrdreg s18  }
0x15: {  	s20 =	sadd.s32 $0xE00, s15;
	[dreg:$0x10] =	wrdreg s19  }
0x16: {  	s21 =	sadd.s32 $0xF00, s15;
	[dreg:$0x11] =	wrdreg s20  }
0x17: {  	s22 =	sadd.s32 $0x1000, s15;
	[dreg:$0x12] =	wrdreg s21  }
0x18: {  	s23 =	sadd.s32 $0x1100, s15;
	[dreg:$0x13] =	wrdreg s22  }
0x19: {  	s24 =	sadd.s32 $0x1200, s15;
	[dreg:$0x14] =	wrdreg s23  }
0x1a: {  	s25 =	sadd.s32 $0x1300, s15;
	[dreg:$0x15] =	wrdreg s24  }
0x1b: {  	s26 =	sadd.s32 $0x1400, s15;
	[dreg:$0x16] =	wrdreg s25  }
0x1c: {  	s28 =	sadd.s32 $0x1500, s15;
	[dreg:$0x17] =	wrdreg s26  }
0x1d: {  	s29 =	sadd.s32 $0x1600, s15;
	[dreg:$0x18] =	wrdreg s28  }
0x1e: {  	s31 =	sadd.s32 $0x1700, s15;
	[dreg:$0x19] =	wrdreg s29  }
0x1f: {  	[dreg:$0x1a] =	wrdreg s31;
	s3 =	sadd.s32 $0x1800, s15  }
0x20: {  	s8 =	sadd.s32 $0x1B00, s15;
	[dreg:$0x1b] =	wrdreg s3  }
0x21: {  	s11 =	sadd.s32 $0x1C00, s15;
	[dreg:$0x1e] =	wrdreg s8  }
0x22: {  	s12 =	sadd.s32 $0x1D00, s15;
	[dreg:$0x1f] =	wrdreg s11  }
0x23: {  	s13 =	sadd.s32 $0x1E00, s15;
	[smem:$0x7EE] =	sst s12  }
0x24: {  	s14 =	sadd.s32 $0x1F00, s15;
	[smem:$0x7EF] =	sst s13  }
0x25: {  	s19 =	simm.s32 $0x10;
	[smem:$0x7F0] =	sst s14  }
0x26: {  	s0 =	srdreg.scid;
	s20 =	simm.s32 $0x80;
	[smem:$0x7F2] =	sst s19  }
0x27: {  	s0 =	sand.u32 $0x1, s0;
	s21 =	simm.s32 $0x100;
	[smem:$0x7F3] =	sst s20  }
0x28: {  	s7 =	sadd.s32 $0xA00, s4;
	s22 =	simm.s32 $0xA00;
	[smem:$0x7F4] =	sst s21  }
0x29: {  	s5 =	sshll.u32 s10, $0x1;
	s23 =	simm.s32 $0x1200;
	[smem:$0x7F5] =	sst s22  }
0x2a: {  	s24 =	simm.s32 $0x1A00;
	s25 =	simm.s32 $0x2200;
	[smem:$0x7F6] =	sst s23  }
0x2b: {  	s26 =	simm.s32 $0x2A00;
	s29 =	simm.s32 $0x3200;
	[smem:$0x7F7] =	sst s24  }
0x2c: {  	s31 =	simm.s32 $0x4200;
	s1 =	sshll.u32 s0, $0x3;
	[smem:$0x7F8] =	sst s25  }
0x2d: {  	s5 =	sor.u32 s0, s5;
	p1 =	seq.s32 s0, $0x1;
	[smem:$0x7F9] =	sst s26  }
0x2e: {  	s0 =	ssub.s32 $0x2, s0;
	[smem:$0x7FA] =	sst s29;
	s3 =	simm.s32 $0x200  }
0x2f: {  	[smem:$0x7FC] =	sst s31;
	s14 =	simm.s32 $0xBA00;
	s13 =	simm.s32 $0xD200  }
0x30: {  	s12 =	simm.s32 $0xDA00;
	s11 =	simm.s32 $0xE200;
	p0 =	seq.s32 s5, $0x0  }
0x31: {  	s6 =	sshll.u32 s5, $0xD;
	s5 =	sadd.s32 $0x1900, s15;
	p0 =	por !p0, !p1  }
0x32: {  	[dreg:$0x1c] =	wrdreg s5;
	s5 =	simm.s32 $0x1;
	p0 =	por !p0, !p0  }
0x33: {  	s1 =	sor.u32 $0x180, s1;
	s28 =	sshrl.u32 s0, $0x1;
	s5 =	simm.s32 @!p0 $0x0  }
0x34: {  	[dreg:$0x3] =	wrdreg s1;
	s0 =	ssub.s32 s0, s28;
	s5 =	ssub.s32 s10, s5  }
0x35: {  	s30 =	sadd.s32 s6, s4;
	s0 =	smax.u32 s0, $0x1;
	s8 =	sshll.u32 s5, $0x4  }
0x36: {  	s6 =	sadd.s32 $0x1A00, s15;
	s4 =	simm.s32 $0x1;
	p1 =	sne.s32 s0, $0x1;
	v0 =	vmov s8  }
.Ltmp1:
0x37: {  	[dreg:$0x1d] =	wrdreg s6;
	s16 =	sadd.s32 $0xE00, s30;
	v0 =	vmul.u32 $0x32, v0;
	(pc) =	sbr.rel @!p1 .LBB2_2-.Ltmp1, $4  }
0x38: {  	v1 =	vlaneseq.u32;
	s30 =	simm.s32 $0x3A00;
	[smem:$0x7F1] =	sst s16;
	s17 =	sshrl.u32 s8, $0x3  }
0x39: {  	v2 =	vmul.u32 $0x32, v1;
	[smem:$0x7FB] =	sst s30;
	s16 =	simm.s32 $0xCA00;
	s18 =	sadd.s32 s7, s17;
	v0 =	vbroadcast v0, $0x0  }
0x3a: {  	vm0 =	vmmov $0xffff;
	v3 =	vshrl.u32 v1, $0x3;
	s0 =	sadd.s32 $0xFFFFFFFF, s0;
	p0 =	por $0x0, $0x0;
	[smem:$0x7FD] =	sst s18  }
0x3b: {  	s5 =	simm.s32 $0x2;
	s8 =	simm.s32 $0xEA00;
	s1 =	sld [smem:$0x7FD];
	v2 =	vadd.s32 v2, v0;
	v0 =	vand.u32 $0x7, v1;
	v1 =	vmul.u32 $0x8, v3  }
0x3c: {  	_ =	sdelay $0x1  }
0x3d: {  	[tilespmem:s2], [sflag:$0x2] =	stream.linear.gather [hbm4b:s1+s2], $0x10, $0x38;
	[tilespmem:$0x10200] =	vst v63  }
0x3e: {  	_ =	swait.ge [sflag:s5], $0x10  }
0x3f: {  	[sflag:s5] =	ssyncset.done $0x0  }
0x40: {  	[sflag:s5] =	ssyncadd.s32 $0xFFFFFFF0  }
0x41: {  	v3 =	vld [tilespmem:$0x0];
	_ =	sdelay $0x3  }
0x42: {  	s9 =	sld [smem:$0x7F4]  }
0x43: {  	s26 =	sld [smem:$0x7F3];
	v3 =	vadd.s32 v3, v2  }
0x44: {  	s6 =	sld [smem:$0x7F2];
	v3 =	vshll.u32 v3, $0x1  }
0x45: {  	v3 =	vadd.s32 $0x3F, v3  }
0x46: {  	[tilespmem:$0x80] =	vst v3  }
0x47: {  	[tilespmem:s9], [sflag:$0x1] =	stream.indirect.gather [hbm4b:s7+s6], $0x1, s26, s6, $0xb8;
	[tilespmem:$0x10200] =	vst v63  }
0x48: {  	_ =	swait.ge [sflag:s4], $0x10  }
0x49: {  	[sflag:s4] =	ssyncset.done $0x0  }
0x4a: {  	[sflag:s4] =	ssyncadd.s32 $0xFFFFFFF0  }
0x4b: {  	v3 =	vld [tilespmem:$0x100];
	_ =	sdelay $0x4  }
0x4c: {  	v3 =	vadd.s32 $0xFFFFFFFF, v3  }
0x4d: {  	s17 =	rddreg [dreg:$0x3];
	[tilespmem:$0x180] =	vst v3  }
0x4e: {  	v3 =	vld.msk [tilespmem:s17+$0x0], $0xff;
	_ =	sdelay $0x4  }
0x4f: {  	v4 =	vshll.u32 v3, $0x6  }
0x50: {  	s18 =	sld [smem:$0x7F6];
	v3 =	vand.u32 $0x7, v3;
	v4 =	vand.u32 $0xFFFFFE00, v4  }
0x51: {  	s19 =	sld [smem:$0x7F5];
	v3 =	vor.u32 v3, v4  }
0x52: {  	s20 =	rddreg [dreg:$0x4];
	v3 =	vperm.xlane v3, v0  }
0x53: {  	s6 =	rddreg [dreg:$0x5]  }
0x54: {  	s21 =	sld [smem:$0x7F7];
	v3 =	vadd.s32 v1, v3  }
0x55: {  	s22 =	rddreg [dreg:$0x6]  }
0x56: {  	s23 =	sld [smem:$0x7F8]  }
0x57: {  	s24 =	rddreg [dreg:$0x7]  }
0x58: {  	s25 =	sld [smem:$0x7F9]  }
0x59: {  	[tilespmem:s3], [sflag:$0x1] =	stream.indirect_vreg.gather [hbm4b:s15+s2], $0x80, v3, vm0, $0xb8;
	[tilespmem:$0x10200] =	vst v63  }
0x5a: {  	s26 =	rddreg [dreg:$0x8]  }
0x5b: {  	[tilespmem:s19], [sflag:$0x1] =	stream.indirect_vreg.gather [hbm4b:s20+s2], $0x80, v3, vm0, $0xb8;
	[tilespmem:$0x10200] =	vst v63  }
0x5c: {  	s10 =	smov.u32 s0;
	s0 =	rddreg [dreg:$0x9]  }
0x5d: {  	[tilespmem:s18], [sflag:$0x1] =	stream.indirect_vreg.gather [hbm4b:s6+s2], $0x80, v3, vm0, $0xb8;
	[tilespmem:$0x10200] =	vst v63  }
0x5e: {  	s6 =	sld [smem:$0x7FA]  }
0x5f: {  	s9 =	sld [smem:$0x7FB]  }
0x60: {  	[tilespmem:s21], [sflag:$0x1] =	stream.indirect_vreg.gather [hbm4b:s22+s2], $0x80, v3, vm0, $0xb8;
	[tilespmem:$0x10200] =	vst v63  }
0x61: {  	[smem:$0x7ED] =	sst s6  }
0x62: {  	[tilespmem:s23], [sflag:$0x1] =	stream.indirect_vreg.gather [hbm4b:s24+s2], $0x80, v3, vm0, $0xb8;
	[tilespmem:$0x10200] =	vst v63  }
0x63: {  	s3 =	sld [smem:$0x7ED]  }
0x64: {  	[tilespmem:s25], [sflag:$0x1] =	stream.indirect_vreg.gather [hbm4b:s26+s2], $0x80, v3, vm0, $0xb8;
	[tilespmem:$0x10200] =	vst v63  }
0x65: {  	s1 =	rddreg [dreg:$0xa]  }
0x66: {  	[tilespmem:s3], [sflag:$0x1] =	stream.indirect_vreg.gather [hbm4b:s0+s2], $0x80, v3, vm0, $0xb8;
	[tilespmem:$0x10200] =	vst v63  }
0x67: {  	s3 =	sld [smem:$0x7FC]  }
0x68: {  	s0 =	rddreg [dreg:$0xb]  }
0x69: {  	[tilespmem:s9], [sflag:$0x1] =	stream.indirect_vreg.gather [hbm4b:s1+s2], $0x80, v3, vm0, $0xb8;
	[tilespmem:$0x10200] =	vst v63  }
0x6a: {  	s9 =	rddreg [dreg:$0xc]  }
0x6b: {  	[tilespmem:s3], [sflag:$0x1] =	stream.indirect_vreg.gather [hbm4b:s0+s2], $0x80, v3, vm0, $0xb8;
	[tilespmem:$0x10200] =	vst v63  }
0x6c: {  	s1 =	rddreg [dreg:$0xe];
	s3 =	simm.s32 $0x4A00  }
0x6d: {  	[tilespmem:s3], [sflag:$0x1] =	stream.indirect_vreg.gather [hbm4b:s9+s2], $0x80, v3, vm0, $0xb8;
	[tilespmem:$0x10200] =	vst v63  }
0x6e: {  	s0 =	rddreg [dreg:$0xd];
	s3 =	simm.s32 $0x5200  }
0x6f: {  	[tilespmem:s3], [sflag:$0x1] =	stream.indirect_vreg.gather [hbm4b:s0+s2], $0x80, v3, vm0, $0xb8;
	[tilespmem:$0x10200] =	vst v63  }
0x70: {  	s31 =	simm.s32 $0x5A00;
	s9 =	rddreg [dreg:$0x10]  }
0x71: {  	[tilespmem:s31], [sflag:$0x1] =	stream.indirect_vreg.gather [hbm4b:s1+s2], $0x80, v3, vm0, $0xb8;
	[tilespmem:$0x10200] =	vst v63  }
0x72: {  	s6 =	simm.s32 $0x6200;
	s3 =	rddreg [dreg:$0xf]  }
0x73: {  	[tilespmem:s6], [sflag:$0x1] =	stream.indirect_vreg.gather [hbm4b:s3+s2], $0x80, v3, vm0, $0xb8;
	[tilespmem:$0x10200] =	vst v63  }
0x74: {  	s30 =	simm.s32 $0x6A00;
	s3 =	rddreg [dreg:$0x11]  }
0x75: {  	[tilespmem:s30], [sflag:$0x1] =	stream.indirect_vreg.gather [hbm4b:s9+s2], $0x80, v3, vm0, $0xb8;
	[tilespmem:$0x10200] =	vst v63  }
0x76: {  	s28 =	simm.s32 $0x7200;
	s6 =	rddreg [dreg:$0x12]  }
0x77: {  	[tilespmem:s28], [sflag:$0x1] =	stream.indirect_vreg.gather [hbm4b:s3+s2], $0x80, v3, vm0, $0xb8;
	[tilespmem:$0x10200] =	vst v63  }
0x78: {  	s29 =	simm.s32 $0x7A00;
	s9 =	rddreg [dreg:$0x13]  }
0x79: {  	[tilespmem:s29], [sflag:$0x1] =	stream.indirect_vreg.gather [hbm4b:s6+s2], $0x80, v3, vm0, $0xb8;
	[tilespmem:$0x10200] =	vst v63  }
0x7a: {  	s26 =	simm.s32 $0x8200;
	s3 =	rddreg [dreg:$0x14]  }
0x7b: {  	[tilespmem:s26], [sflag:$0x1] =	stream.indirect_vreg.gather [hbm4b:s9+s2], $0x80, v3, vm0, $0xb8;
	[tilespmem:$0x10200] =	vst v63  }
0x7c: {  	s24 =	simm.s32 $0x8A00;
	s6 =	rddreg [dreg:$0x15]  }
0x7d: {  	[tilespmem:s24], [sflag:$0x1] =	stream.indirect_vreg.gather [hbm4b:s3+s2], $0x80, v3, vm0, $0xb8;
	[tilespmem:$0x10200] =	vst v63  }
0x7e: {  	s25 =	simm.s32 $0x9200;
	s9 =	rddreg [dreg:$0x16]  }
0x7f: {  	[tilespmem:s25], [sflag:$0x1] =	stream.indirect_vreg.gather [hbm4b:s6+s2], $0x80, v3, vm0, $0xb8;
	[tilespmem:$0x10200] =	vst v63  }
0x80: {  	s21 =	simm.s32 $0x9A00;
	s26 =	rddreg [dreg:$0x19]  }
0x81: {  	[tilespmem:s21], [sflag:$0x1] =	stream.indirect_vreg.gather [hbm4b:s9+s2], $0x80, v3, vm0, $0xb8;
	[tilespmem:$0x10200] =	vst v63  }
0x82: {  	s19 =	simm.s32 $0xA200;
	s24 =	rddreg [dreg:$0x17]  }
0x83: {  	[tilespmem:s19], [sflag:$0x1] =	stream.indirect_vreg.gather [hbm4b:s24+s2], $0x80, v3, vm0, $0xb8;
	[tilespmem:$0x10200] =	vst v63  }
0x84: {  	s20 =	simm.s32 $0xAA00;
	s25 =	rddreg [dreg:$0x18]  }
0x85: {  	[tilespmem:s20], [sflag:$0x1] =	stream.indirect_vreg.gather [hbm4b:s25+s2], $0x80, v3, vm0, $0xb8;
	[tilespmem:$0x10200] =	vst v63  }
0x86: {  	s17 =	simm.s32 $0xB200;
	s3 =	rddreg [dreg:$0x1a]  }
0x87: {  	[tilespmem:s17], [sflag:$0x1] =	stream.indirect_vreg.gather [hbm4b:s26+s2], $0x80, v3, vm0, $0xb8;
	[tilespmem:$0x10200] =	vst v63  }
0x88: {  	s6 =	rddreg [dreg:$0x1b]  }
0x89: {  	[tilespmem:s14], [sflag:$0x1] =	stream.indirect_vreg.gather [hbm4b:s3+s2], $0x80, v3, vm0, $0xb8;
	[tilespmem:$0x10200] =	vst v63  }
0x8a: {  	s18 =	simm.s32 $0xC200;
	s9 =	rddreg [dreg:$0x1c]  }
0x8b: {  	[tilespmem:s18], [sflag:$0x1] =	stream.indirect_vreg.gather [hbm4b:s6+s2], $0x80, v3, vm0, $0xb8;
	[tilespmem:$0x10200] =	vst v63  }
0x8c: {  	s19 =	rddreg [dreg:$0x1f]  }
0x8d: {  	[tilespmem:s16], [sflag:$0x1] =	stream.indirect_vreg.gather [hbm4b:s9+s2], $0x80, v3, vm0, $0xb8;
	[tilespmem:$0x10200] =	vst v63  }
0x8e: {  	s17 =	rddreg [dreg:$0x1d]  }
0x8f: {  	[tilespmem:s13], [sflag:$0x1] =	stream.indirect_vreg.gather [hbm4b:s17+s2], $0x80, v3, vm0, $0xb8;
	[tilespmem:$0x10200] =	vst v63  }
0x90: {  	p0 =	por $0x1, $0x1;
	p1 =	sne.s32 s10, $0x1;
	s18 =	rddreg [dreg:$0x1e]  }
0x91: {  	[tilespmem:s12], [sflag:$0x1] =	stream.indirect_vreg.gather [hbm4b:s18+s2], $0x80, v3, vm0, $0xb8;
	[tilespmem:$0x10200] =	vst v63  }
0x92: {  	s22 =	simm.s32 $0xF200;
	s23 =	simm.s32 $0xFA00;
	s20 =	sld [smem:$0x7EE]  }
0x93: {  	[tilespmem:s11], [sflag:$0x1] =	stream.indirect_vreg.gather [hbm4b:s19+s2], $0x80, v3, vm0, $0xb8;
	[tilespmem:$0x10200] =	vst v63  }
0x94: {  	s0 =	sadd.s32 $0xFFFFFFFF, s10;
	s31 =	simm.s32 $0x6200;
	s21 =	sld [smem:$0x7EF]  }
0x95: {  	[tilespmem:s8], [sflag:$0x1] =	stream.indirect_vreg.gather [hbm4b:s20+s2], $0x80, v3, vm0, $0xb8;
	[tilespmem:$0x10200] =	vst v63  }
0x96: {  	s30 =	simm.s32 $0x6A00;
	s28 =	simm.s32 $0x7200;
	s24 =	sld [smem:$0x7F0]  }
0x97: {  	[tilespmem:s22], [sflag:$0x1] =	stream.indirect_vreg.gather [hbm4b:s21+s2], $0x80, v3, vm0, $0xb8;
	[tilespmem:$0x10200] =	vst v63  }
0x98: {  	s29 =	simm.s32 $0x7A00;
	s26 =	simm.s32 $0x200;
	s6 =	simm.s32 $0x5A00  }
0x99: {  	[tilespmem:s23], [sflag:$0x1] =	stream.indirect_vreg.gather [hbm4b:s24+s2], $0x80, v3, vm0, $0xb8;
	[tilespmem:$0x10200] =	vst v63  }
0x9a: {  	s17 =	simm.s32 $0xB200;
	s18 =	simm.s32 $0x200;
	_ =	swait.ge [sflag:s4], $0x10000  }
0x9b: {  	s19 =	simm.s32 $0xA200;
	s20 =	simm.s32 $0xAA00;
	s25 =	sld [smem:$0x7F1]  }
.Ltmp2:
0x9c: {  	s22 =	simm.s32 $0xF200;
	[sflag:s4] =	ssyncset.done $0x0;
	(pc) =	sbr.rel @!p1 .LBB2_4-.Ltmp2, $4  }
0x9d: {  	s21 =	simm.s32 $0x9A00;
	s24 =	simm.s32 $0x8A00;
	[sflag:s4] =	ssyncadd.s32 $0xFFFF0000  }
0x9e: {  	[hbm4b:s25+s2] =	stream.linear.scatter [tilespmem:s26], [sflag:$0x2], $0x10000, $0x38;
	[tilespmem:$0x10200] =	vst v63  }
0x9f: {  	s23 =	simm.s32 $0xFA00;
	s26 =	simm.s32 $0x8200;
	_ =	swait.ge [sflag:s5], $0x10000  }
0xa0: {  	s25 =	simm.s32 $0x9200;
	s1 =	sld [smem:$0x7FD];
	[sflag:s5] =	ssyncset.done $0x0  }
.LBB2_5:
0xa1: {  	_ = 	snop  }
0xa2: {  	[sflag:s5] =	ssyncadd.s32 $0xFFFF0000  }
0xa3: {  	[tilespmem:s2], [sflag:$0x2] =	stream.linear.gather [hbm4b:s1+s2], $0x10, $0x38;
	[tilespmem:$0x10200] =	vst v63  }
0xa4: {  	_ =	swait.ge [sflag:s5], $0x10  }
0xa5: {  	[sflag:s5] =	ssyncset.done $0x0  }
0xa6: {  	[sflag:s5] =	ssyncadd.s32 $0xFFFFFFF0  }
0xa7: {  	v3 =	vld [tilespmem:$0x0];
	_ =	sdelay $0x3  }
0xa8: {  	s16 =	sld [smem:$0x7F4]  }
0xa9: {  	s3 =	sld [smem:$0x7F3];
	v3 =	vadd.s32 v3, v2  }
0xaa: {  	s8 =	sld [smem:$0x7F2];
	v3 =	vshll.u32 v3, $0x1  }
0xab: {  	v3 =	vadd.s32 $0x3F, v3  }
0xac: {  	[tilespmem:$0x80] =	vst v3  }
0xad: {  	[tilespmem:s16], [sflag:$0x1] =	stream.indirect.gather [hbm4b:s7+s8], $0x1, s3, s8, $0xb8;
	[tilespmem:$0x10200] =	vst v63  }
0xae: {  	_ =	swait.ge [sflag:s4], $0x10  }
0xaf: {  	[sflag:s4] =	ssyncset.done $0x0  }
0xb0: {  	[sflag:s4] =	ssyncadd.s32 $0xFFFFFFF0  }
0xb1: {  	v3 =	vld [tilespmem:$0x100];
	_ =	sdelay $0x4  }
0xb2: {  	v3 =	vadd.s32 $0xFFFFFFFF, v3  }
0xb3: {  	s9 =	rddreg [dreg:$0x3];
	[tilespmem:$0x180] =	vst v3  }
0xb4: {  	v3 =	vld.msk [tilespmem:s9+$0x0], $0xff;
	_ =	sdelay $0x4  }
0xb5: {  	v4 =	vshll.u32 v3, $0x6  }
0xb6: {  	s1 =	sld [smem:$0x7FC];
	v3 =	vand.u32 $0x7, v3;
	v4 =	vand.u32 $0xFFFFFE00, v4  }
0xb7: {  	s3 =	sld [smem:$0x7FB];
	v3 =	vor.u32 v3, v4  }
0xb8: {  	s8 =	sld [smem:$0x7FA];
	v3 =	vperm.xlane v3, v0  }
0xb9: {  	s10 =	sld [smem:$0x7F8]  }
0xba: {  	s11 =	sld [smem:$0x7F7];
	v3 =	vadd.s32 v1, v3  }
0xbb: {  	s12 =	sld [smem:$0x7F6]  }
0xbc: {  	s13 =	sld [smem:$0x7F5]  }
0xbd: {  	s14 =	rddreg [dreg:$0x4]  }
0xbe: {  	s9 =	sld [smem:$0x7F9]  }
0xbf: {  	[tilespmem:s18], [sflag:$0x1] =	stream.indirect_vreg.gather [hbm4b:s15+s2], $0x80, v3, vm0, $0xb8;
	[tilespmem:$0x10200] =	vst v63  }
0xc0: {  	s16 =	smov.u32 s15;
	s15 =	rddreg [dreg:$0x5]  }
0xc1: {  	[tilespmem:s13], [sflag:$0x1] =	stream.indirect_vreg.gather [hbm4b:s14+s2], $0x80, v3, vm0, $0xb8;
	[tilespmem:$0x10200] =	vst v63  }
0xc2: {  	s13 =	rddreg [dreg:$0x6]  }
0xc3: {  	[tilespmem:s12], [sflag:$0x1] =	stream.indirect_vreg.gather [hbm4b:s15+s2], $0x80, v3, vm0, $0xb8;
	[tilespmem:$0x10200] =	vst v63  }
0xc4: {  	s12 =	rddreg [dreg:$0x7]  }
0xc5: {  	[tilespmem:s11], [sflag:$0x1] =	stream.indirect_vreg.gather [hbm4b:s13+s2], $0x80, v3, vm0, $0xb8;
	[tilespmem:$0x10200] =	vst v63  }
0xc6: {  	s11 =	rddreg [dreg:$0x8]  }
0xc7: {  	[tilespmem:s10], [sflag:$0x1] =	stream.indirect_vreg.gather [hbm4b:s12+s2], $0x80, v3, vm0, $0xb8;
	[tilespmem:$0x10200] =	vst v63  }
0xc8: {  	s10 =	rddreg [dreg:$0x9]  }
0xc9: {  	[tilespmem:s9], [sflag:$0x1] =	stream.indirect_vreg.gather [hbm4b:s11+s2], $0x80, v3, vm0, $0xb8;
	[tilespmem:$0x10200] =	vst v63  }
0xca: {  	s9 =	rddreg [dreg:$0xa]  }
0xcb: {  	[tilespmem:s8], [sflag:$0x1] =	stream.indirect_vreg.gather [hbm4b:s10+s2], $0x80, v3, vm0, $0xb8;
	[tilespmem:$0x10200] =	vst v63  }
0xcc: {  	s10 =	rddreg [dreg:$0xb]  }
0xcd: {  	[tilespmem:s3], [sflag:$0x1] =	stream.indirect_vreg.gather [hbm4b:s9+s2], $0x80, v3, vm0, $0xb8;
	[tilespmem:$0x10200] =	vst v63  }
0xce: {  	s9 =	rddreg [dreg:$0xc]  }
0xcf: {  	[tilespmem:s1], [sflag:$0x1] =	stream.indirect_vreg.gather [hbm4b:s10+s2], $0x80, v3, vm0, $0xb8;
	[tilespmem:$0x10200] =	vst v63  }
0xd0: {  	s3 =	rddreg [dreg:$0xe];
	s10 =	simm.s32 $0x4A00  }
0xd1: {  	[tilespmem:s10], [sflag:$0x1] =	stream.indirect_vreg.gather [hbm4b:s9+s2], $0x80, v3, vm0, $0xb8;
	[tilespmem:$0x10200] =	vst v63  }
0xd2: {  	s1 =	rddreg [dreg:$0xd];
	s10 =	simm.s32 $0x5200  }
0xd3: {  	[tilespmem:s10], [sflag:$0x1] =	stream.indirect_vreg.gather [hbm4b:s1+s2], $0x80, v3, vm0, $0xb8;
	[tilespmem:$0x10200] =	vst v63  }
0xd4: {  	s9 =	rddreg [dreg:$0xf]  }
0xd5: {  	[tilespmem:s6], [sflag:$0x1] =	stream.indirect_vreg.gather [hbm4b:s3+s2], $0x80, v3, vm0, $0xb8;
	[tilespmem:$0x10200] =	vst v63  }
0xd6: {  	s10 =	rddreg [dreg:$0x10]  }
0xd7: {  	[tilespmem:s31], [sflag:$0x1] =	stream.indirect_vreg.gather [hbm4b:s9+s2], $0x80, v3, vm0, $0xb8;
	[tilespmem:$0x10200] =	vst v63  }
0xd8: {  	s3 =	rddreg [dreg:$0x1c]  }
0xd9: {  	[tilespmem:s30], [sflag:$0x1] =	stream.indirect_vreg.gather [hbm4b:s10+s2], $0x80, v3, vm0, $0xb8;
	[tilespmem:$0x10200] =	vst v63  }
0xda: {  	s9 =	rddreg [dreg:$0x11]  }
0xdb: {  	[tilespmem:s28], [sflag:$0x1] =	stream.indirect_vreg.gather [hbm4b:s9+s2], $0x80, v3, vm0, $0xb8;
	[tilespmem:$0x10200] =	vst v63  }
0xdc: {  	s10 =	rddreg [dreg:$0x12]  }
0xdd: {  	[tilespmem:s29], [sflag:$0x1] =	stream.indirect_vreg.gather [hbm4b:s10+s2], $0x80, v3, vm0, $0xb8;
	[tilespmem:$0x10200] =	vst v63  }
0xde: {  	s9 =	rddreg [dreg:$0x13]  }
0xdf: {  	[tilespmem:s26], [sflag:$0x1] =	stream.indirect_vreg.gather [hbm4b:s9+s2], $0x80, v3, vm0, $0xb8;
	[tilespmem:$0x10200] =	vst v63  }
0xe0: {  	s10 =	rddreg [dreg:$0x14]  }
0xe1: {  	[tilespmem:s24], [sflag:$0x1] =	stream.indirect_vreg.gather [hbm4b:s10+s2], $0x80, v3, vm0, $0xb8;
	[tilespmem:$0x10200] =	vst v63  }
0xe2: {  	s9 =	rddreg [dreg:$0x15]  }
0xe3: {  	[tilespmem:s25], [sflag:$0x1] =	stream.indirect_vreg.gather [hbm4b:s9+s2], $0x80, v3, vm0, $0xb8;
	[tilespmem:$0x10200] =	vst v63  }
0xe4: {  	s10 =	rddreg [dreg:$0x16]  }
0xe5: {  	[tilespmem:s21], [sflag:$0x1] =	stream.indirect_vreg.gather [hbm4b:s10+s2], $0x80, v3, vm0, $0xb8;
	[tilespmem:$0x10200] =	vst v63  }
0xe6: {  	s9 =	rddreg [dreg:$0x17]  }
0xe7: {  	[tilespmem:s19], [sflag:$0x1] =	stream.indirect_vreg.gather [hbm4b:s9+s2], $0x80, v3, vm0, $0xb8;
	[tilespmem:$0x10200] =	vst v63  }
0xe8: {  	s10 =	rddreg [dreg:$0x18]  }
0xe9: {  	[tilespmem:s20], [sflag:$0x1] =	stream.indirect_vreg.gather [hbm4b:s10+s2], $0x80, v3, vm0, $0xb8;
	[tilespmem:$0x10200] =	vst v63  }
0xea: {  	s9 =	rddreg [dreg:$0x19]  }
0xeb: {  	[tilespmem:s17], [sflag:$0x1] =	stream.indirect_vreg.gather [hbm4b:s9+s2], $0x80, v3, vm0, $0xb8;
	[tilespmem:$0x10200] =	vst v63  }
0xec: {  	s14 =	simm.s32 $0xBA00;
	s10 =	rddreg [dreg:$0x1a]  }
0xed: {  	[tilespmem:s14], [sflag:$0x1] =	stream.indirect_vreg.gather [hbm4b:s10+s2], $0x80, v3, vm0, $0xb8;
	[tilespmem:$0x10200] =	vst v63  }
0xee: {  	s9 =	rddreg [dreg:$0x1b];
	s10 =	simm.s32 $0xC200  }
0xef: {  	[tilespmem:s10], [sflag:$0x1] =	stream.indirect_vreg.gather [hbm4b:s9+s2], $0x80, v3, vm0, $0xb8;
	[tilespmem:$0x10200] =	vst v63  }
0xf0: {  	s15 =	smov.u32 s16;
	s16 =	simm.s32 $0xCA00;
	s10 =	rddreg [dreg:$0x1d]  }
0xf1: {  	[tilespmem:s16], [sflag:$0x1] =	stream.indirect_vreg.gather [hbm4b:s3+s2], $0x80, v3, vm0, $0xb8;
	[tilespmem:$0x10200] =	vst v63  }
0xf2: {  	s13 =	simm.s32 $0xD200;
	s9 =	rddreg [dreg:$0x1e]  }
0xf3: {  	[tilespmem:s13], [sflag:$0x1] =	stream.indirect_vreg.gather [hbm4b:s10+s2], $0x80, v3, vm0, $0xb8;
	[tilespmem:$0x10200] =	vst v63  }
0xf4: {  	s12 =	simm.s32 $0xDA00;
	s10 =	rddreg [dreg:$0x1f]  }
0xf5: {  	[tilespmem:s12], [sflag:$0x1] =	stream.indirect_vreg.gather [hbm4b:s9+s2], $0x80, v3, vm0, $0xb8;
	[tilespmem:$0x10200] =	vst v63  }
0xf6: {  	s11 =	simm.s32 $0xE200;
	s9 =	sld [smem:$0x7EE]  }
0xf7: {  	[tilespmem:s11], [sflag:$0x1] =	stream.indirect_vreg.gather [hbm4b:s10+s2], $0x80, v3, vm0, $0xb8;
	[tilespmem:$0x10200] =	vst v63  }
0xf8: {  	s8 =	simm.s32 $0xEA00;
	s10 =	sld [smem:$0x7EF]  }
0xf9: {  	[tilespmem:s8], [sflag:$0x1] =	stream.indirect_vreg.gather [hbm4b:s9+s2], $0x80, v3, vm0, $0xb8;
	[tilespmem:$0x10200] =	vst v63  }
0xfa: {  	s9 =	sld [smem:$0x7F0]  }
0xfb: {  	[tilespmem:s22], [sflag:$0x1] =	stream.indirect_vreg.gather [hbm4b:s10+s2], $0x80, v3, vm0, $0xb8;
	[tilespmem:$0x10200] =	vst v63  }
0xfc: {  	_ = 	snop  }
0xfd: {  	[tilespmem:s23], [sflag:$0x1] =	stream.indirect_vreg.gather [hbm4b:s9+s2], $0x80, v3, vm0, $0xb8;
	[tilespmem:$0x10200] =	vst v63  }
0xfe: {  	_ =	swait.ge [sflag:s4], $0x10000  }
0xff: {  	p1 =	sne.s32 s0, $0x1;
	s10 =	sld [smem:$0x7F1]  }
.Ltmp3:
0x100: {  	[sflag:s4] =	ssyncset.done $0x0;
	(pc) =	sbr.rel @p1 .LBB2_5-.Ltmp3, $4  }
0x101: {  	[sflag:s4] =	ssyncadd.s32 $0xFFFF0000  }
0x102: {  	[hbm4b:s10+s2] =	stream.linear.scatter [tilespmem:s18], [sflag:$0x2], $0x10000, $0x38;
	[tilespmem:$0x10200] =	vst v63  }
0x103: {  	_ =	swait.ge [sflag:s5], $0x10000  }
0x104: {  	s0 =	sadd.s32 $0xFFFFFFFF, s0;
	s1 =	sld [smem:$0x7FD];
	[sflag:s5] =	ssyncset.done $0x0  }
0x105: {  	s22 =	simm.s32 $0x4A00;
	s23 =	simm.s32 $0x5200  }
0x106: {  	s6 =	simm.s32 $0x5A00;
	s31 =	simm.s32 $0x6200;
	s30 =	simm.s32 $0x6A00  }
0x107: {  	s29 =	simm.s32 $0x7A00;
	s28 =	simm.s32 $0x7200;
	s26 =	simm.s32 $0x8200  }
0x108: {  	s25 =	simm.s32 $0x9200;
	s24 =	simm.s32 $0x8A00;
	s21 =	simm.s32 $0x9A00  }
0x109: {  	s20 =	simm.s32 $0xAA00;
	s19 =	simm.s32 $0xA200;
	s18 =	simm.s32 $0xC200  }
0x10a: {  	s17 =	simm.s32 $0xB200;
	s9 =	rddreg [dreg:$0x2];
	s10 =	stileid.u32  }
.LBB2_7:
0x10b: {  	[sflag:s5] =	ssyncadd.s32 @p0 $0xFFFF0000  }
0x10c: {  	[tilespmem:s2], [sflag:$0x2] =	stream.linear.gather [hbm4b:s1+s2], $0x10, $0x38;
	[tilespmem:$0x10200] =	vst v63  }
0x10d: {  	_ =	swait.ge [sflag:s5], $0x10  }
0x10e: {  	[sflag:s5] =	ssyncset.done $0x0  }
0x10f: {  	[sflag:s5] =	ssyncadd.s32 $0xFFFFFFF0  }
0x110: {  	v3 =	vld [tilespmem:$0x0];
	_ =	sdelay $0x3  }
0x111: {  	s0 =	sld [smem:$0x7F4]  }
0x112: {  	s1 =	sld [smem:$0x7F3];
	v2 =	vadd.s32 v3, v2  }
0x113: {  	s3 =	sld [smem:$0x7F2];
	v2 =	vshll.u32 v2, $0x1  }
0x114: {  	v2 =	vadd.s32 $0x3F, v2  }
0x115: {  	[tilespmem:$0x80] =	vst v2  }
0x116: {  	[tilespmem:s0], [sflag:$0x1] =	stream.indirect.gather [hbm4b:s7+s3], $0x1, s1, s3, $0xb8;
	[tilespmem:$0x10200] =	vst v63  }
0x117: {  	_ =	swait.ge [sflag:s4], $0x10  }
0x118: {  	[sflag:s4] =	ssyncset.done $0x0  }
0x119: {  	[sflag:s4] =	ssyncadd.s32 $0xFFFFFFF0  }
0x11a: {  	v62 =	vld [tilespmem:$0x100];
	_ =	sdelay $0x4  }
0x11b: {  	v2 =	vadd.s32 $0xFFFFFFFF, v62  }
0x11c: {  	s3 =	rddreg [dreg:$0x3];
	[tilespmem:$0x180] =	vst v2  }
0x11d: {  	v2 =	vld.msk [tilespmem:s3+$0x0], $0xff;
	_ =	sdelay $0x4  }
0x11e: {  	v63 =	vshll.u32 v2, $0x6  }
0x11f: {  	v2 =	vand.u32 $0x7, v2;
	v3 =	vand.u32 $0xFFFFFE00, v63  }
0x120: {  	v2 =	vor.u32 v2, v3  }
0x121: {  	v0 =	vperm.xlane v2, v0;
	_ =	sdelay $0x1  }
0x122: {  	v0 =	vadd.s32 v1, v0;
	_ =	sdelay $0x1  }
0x123: {  	s0 =	sld [smem:$0x7F5]  }
0x124: {  	s1 =	rddreg [dreg:$0x4]  }
0x125: {  	s7 =	simm.s32 $0x200;
	s3 =	sld [smem:$0x7F6]  }
0x126: {  	[tilespmem:s7], [sflag:$0x1] =	stream.indirect_vreg.gather [hbm4b:s15+s2], $0x80, v0, vm0, $0xb8;
	[tilespmem:$0x10200] =	vst v63  }
0x127: {  	s7 =	rddreg [dreg:$0x5]  }
0x128: {  	[tilespmem:s0], [sflag:$0x1] =	stream.indirect_vreg.gather [hbm4b:s1+s2], $0x80, v0, vm0, $0xb8;
	[tilespmem:$0x10200] =	vst v63  }
0x129: {  	s0 =	sld [smem:$0x7F7]  }
0x12a: {  	s1 =	rddreg [dreg:$0x6]  }
0x12b: {  	[tilespmem:s3], [sflag:$0x1] =	stream.indirect_vreg.gather [hbm4b:s7+s2], $0x80, v0, vm0, $0xb8;
	[tilespmem:$0x10200] =	vst v63  }
0x12c: {  	s3 =	sld [smem:$0x7F8]  }
0x12d: {  	s7 =	rddreg [dreg:$0x7]  }
0x12e: {  	[tilespmem:s0], [sflag:$0x1] =	stream.indirect_vreg.gather [hbm4b:s1+s2], $0x80, v0, vm0, $0xb8;
	[tilespmem:$0x10200] =	vst v63  }
0x12f: {  	s0 =	sld [smem:$0x7F9]  }
0x130: {  	s1 =	rddreg [dreg:$0x8]  }
0x131: {  	[tilespmem:s3], [sflag:$0x1] =	stream.indirect_vreg.gather [hbm4b:s7+s2], $0x80, v0, vm0, $0xb8;
	[tilespmem:$0x10200] =	vst v63  }
0x132: {  	s3 =	sld [smem:$0x7FA]  }
0x133: {  	s7 =	rddreg [dreg:$0x9]  }
0x134: {  	[tilespmem:s0], [sflag:$0x1] =	stream.indirect_vreg.gather [hbm4b:s1+s2], $0x80, v0, vm0, $0xb8;
	[tilespmem:$0x10200] =	vst v63  }
0x135: {  	s0 =	sld [smem:$0x7FB]  }
0x136: {  	s1 =	rddreg [dreg:$0xa]  }
0x137: {  	[tilespmem:s3], [sflag:$0x1] =	stream.indirect_vreg.gather [hbm4b:s7+s2], $0x80, v0, vm0, $0xb8;
	[tilespmem:$0x10200] =	vst v63  }
0x138: {  	s3 =	sld [smem:$0x7FC]  }
0x139: {  	s7 =	rddreg [dreg:$0xb]  }
0x13a: {  	[tilespmem:s0], [sflag:$0x1] =	stream.indirect_vreg.gather [hbm4b:s1+s2], $0x80, v0, vm0, $0xb8;
	[tilespmem:$0x10200] =	vst v63  }
0x13b: {  	s1 =	rddreg [dreg:$0xc]  }
0x13c: {  	[tilespmem:s3], [sflag:$0x1] =	stream.indirect_vreg.gather [hbm4b:s7+s2], $0x80, v0, vm0, $0xb8;
	[tilespmem:$0x10200] =	vst v63  }
0x13d: {  	s7 =	rddreg [dreg:$0xd]  }
0x13e: {  	[tilespmem:s22], [sflag:$0x1] =	stream.indirect_vreg.gather [hbm4b:s1+s2], $0x80, v0, vm0, $0xb8;
	[tilespmem:$0x10200] =	vst v63  }
0x13f: {  	s3 =	rddreg [dreg:$0xf]  }
0x140: {  	[tilespmem:s23], [sflag:$0x1] =	stream.indirect_vreg.gather [hbm4b:s7+s2], $0x80, v0, vm0, $0xb8;
	[tilespmem:$0x10200] =	vst v63  }
0x141: {  	s22 =	rddreg [dreg:$0xe]  }
0x142: {  	[tilespmem:s6], [sflag:$0x1] =	stream.indirect_vreg.gather [hbm4b:s22+s2], $0x80, v0, vm0, $0xb8;
	[tilespmem:$0x10200] =	vst v63  }
0x143: {  	s7 =	rddreg [dreg:$0x10]  }
0x144: {  	[tilespmem:s31], [sflag:$0x1] =	stream.indirect_vreg.gather [hbm4b:s3+s2], $0x80, v0, vm0, $0xb8;
	[tilespmem:$0x10200] =	vst v63  }
0x145: {  	s23 =	rddreg [dreg:$0x12]  }
0x146: {  	[tilespmem:s30], [sflag:$0x1] =	stream.indirect_vreg.gather [hbm4b:s7+s2], $0x80, v0, vm0, $0xb8;
	[tilespmem:$0x10200] =	vst v63  }
0x147: {  	s22 =	rddreg [dreg:$0x11]  }
0x148: {  	[tilespmem:s28], [sflag:$0x1] =	stream.indirect_vreg.gather [hbm4b:s22+s2], $0x80, v0, vm0, $0xb8;
	[tilespmem:$0x10200] =	vst v63  }
0x149: {  	s6 =	rddreg [dreg:$0x18]  }
0x14a: {  	[tilespmem:s29], [sflag:$0x1] =	stream.indirect_vreg.gather [hbm4b:s23+s2], $0x80, v0, vm0, $0xb8;
	[tilespmem:$0x10200] =	vst v63  }
0x14b: {  	s28 =	rddreg [dreg:$0x13]  }
0x14c: {  	[tilespmem:s26], [sflag:$0x1] =	stream.indirect_vreg.gather [hbm4b:s28+s2], $0x80, v0, vm0, $0xb8;
	[tilespmem:$0x10200] =	vst v63  }
0x14d: {  	s29 =	rddreg [dreg:$0x14]  }
0x14e: {  	[tilespmem:s24], [sflag:$0x1] =	stream.indirect_vreg.gather [hbm4b:s29+s2], $0x80, v0, vm0, $0xb8;
	[tilespmem:$0x10200] =	vst v63  }
0x14f: {  	s30 =	rddreg [dreg:$0x15]  }
0x150: {  	[tilespmem:s25], [sflag:$0x1] =	stream.indirect_vreg.gather [hbm4b:s30+s2], $0x80, v0, vm0, $0xb8;
	[tilespmem:$0x10200] =	vst v63  }
0x151: {  	s31 =	rddreg [dreg:$0x16]  }
0x152: {  	[tilespmem:s21], [sflag:$0x1] =	stream.indirect_vreg.gather [hbm4b:s31+s2], $0x80, v0, vm0, $0xb8;
	[tilespmem:$0x10200] =	vst v63  }
0x153: {  	s3 =	rddreg [dreg:$0x17]  }
0x154: {  	[tilespmem:s19], [sflag:$0x1] =	stream.indirect_vreg.gather [hbm4b:s3+s2], $0x80, v0, vm0, $0xb8;
	[tilespmem:$0x10200] =	vst v63  }
0x155: {  	s7 =	rddreg [dreg:$0x19]  }
0x156: {  	[tilespmem:s20], [sflag:$0x1] =	stream.indirect_vreg.gather [hbm4b:s6+s2], $0x80, v0, vm0, $0xb8;
	[tilespmem:$0x10200] =	vst v63  }
0x157: {  	s22 =	rddreg [dreg:$0x1d]  }
0x158: {  	[tilespmem:s17], [sflag:$0x1] =	stream.indirect_vreg.gather [hbm4b:s7+s2], $0x80, v0, vm0, $0xb8;
	[tilespmem:$0x10200] =	vst v63  }
0x159: {  	s19 =	rddreg [dreg:$0x1a]  }
0x15a: {  	[tilespmem:s14], [sflag:$0x1] =	stream.indirect_vreg.gather [hbm4b:s19+s2], $0x80, v0, vm0, $0xb8;
	[tilespmem:$0x10200] =	vst v63  }
0x15b: {  	s20 =	rddreg [dreg:$0x1b]  }
0x15c: {  	[tilespmem:s18], [sflag:$0x1] =	stream.indirect_vreg.gather [hbm4b:s20+s2], $0x80, v0, vm0, $0xb8;
	[tilespmem:$0x10200] =	vst v63  }
0x15d: {  	s21 =	rddreg [dreg:$0x1c]  }
0x15e: {  	[tilespmem:s16], [sflag:$0x1] =	stream.indirect_vreg.gather [hbm4b:s21+s2], $0x80, v0, vm0, $0xb8;
	[tilespmem:$0x10200] =	vst v63  }
0x15f: {  	s23 =	rddreg [dreg:$0x1e]  }
0x160: {  	[tilespmem:s13], [sflag:$0x1] =	stream.indirect_vreg.gather [hbm4b:s22+s2], $0x80, v0, vm0, $0xb8;
	[tilespmem:$0x10200] =	vst v63  }
0x161: {  	s24 =	rddreg [dreg:$0x1f]  }
0x162: {  	[tilespmem:s12], [sflag:$0x1] =	stream.indirect_vreg.gather [hbm4b:s23+s2], $0x80, v0, vm0, $0xb8;
	[tilespmem:$0x10200] =	vst v63  }
0x163: {  	s25 =	sld [smem:$0x7EE]  }
0x164: {  	[tilespmem:s11], [sflag:$0x1] =	stream.indirect_vreg.gather [hbm4b:s24+s2], $0x80, v0, vm0, $0xb8;
	[tilespmem:$0x10200] =	vst v63  }
0x165: {  	s26 =	sld [smem:$0x7EF]  }
0x166: {  	[tilespmem:s8], [sflag:$0x1] =	stream.indirect_vreg.gather [hbm4b:s25+s2], $0x80, v0, vm0, $0xb8;
	[tilespmem:$0x10200] =	vst v63  }
0x167: {  	s28 =	sld [smem:$0x7F0];
	s29 =	simm.s32 $0xF200  }
0x168: {  	[tilespmem:s29], [sflag:$0x1] =	stream.indirect_vreg.gather [hbm4b:s26+s2], $0x80, v0, vm0, $0xb8;
	[tilespmem:$0x10200] =	vst v63  }
0x169: {  	s30 =	simm.s32 $0xFA00  }
0x16a: {  	[tilespmem:s30], [sflag:$0x1] =	stream.indirect_vreg.gather [hbm4b:s28+s2], $0x80, v0, vm0, $0xb8;
	[tilespmem:$0x10200] =	vst v63  }
0x16b: {  	_ =	swait.ge [sflag:s4], $0x10000  }
0x16c: {  	s31 =	sld [smem:$0x7F1]  }
0x16d: {  	[sflag:s4] =	ssyncset.done $0x0  }
0x16e: {  	s15 =	simm.s32 $0x200;
	[sflag:s4] =	ssyncadd.s32 $0xFFFF0000  }
0x16f: {  	[hbm4b:s31+s2] =	stream.linear.scatter [tilespmem:s15], [sflag:$0x2], $0x10000, $0x38;
	[tilespmem:$0x10200] =	vst v63  }
0x170: {  	_ =	swait.ge [sflag:s5], $0x10000  }
0x171: {  	[sflag:s5] =	ssyncset.done $0x0  }
0x172: {  	[sflag:s5] =	ssyncadd.s32 $0xFFFF0000  }
.LBB2_8:
0x173: {  	_ =	sfence.sel $0x180000  }
0x174: {  	[bflag:$0x0] =	sbarrier.arrive $0xFFFF  }
0x175: {  	p0 =	sne.s32 s10, $0x0;
	_ =	strace $0x90000047  }
0x176: {  	s0 =	sadd.s32 @!p0 $0x100000, s9;
	[bflag:$0x2] =	sbarrier.arrive $0xFFFF  }
0x177: {  	[sflag:s0] =	ssyncadd.tile.s32 @!p0 $0x1;
	_ =	shalt  }
.LBB2_2:
0x178: {  	s22 =	simm.s32 $0x4A00  }
.Ltmp4:
0x179: {  	s23 =	simm.s32 $0x5200;
	s6 =	simm.s32 $0x5A00;
	(pc) =	sbr.rel .LBB2_7-.Ltmp4, $4  }
0x17a: {  	s31 =	simm.s32 $0x6200;
	s30 =	simm.s32 $0x6A00;
	s29 =	simm.s32 $0x7A00  }
0x17b: {  	s28 =	simm.s32 $0x7200;
	s26 =	simm.s32 $0x8200;
	s25 =	simm.s32 $0x9200  }
0x17c: {  	s24 =	simm.s32 $0x8A00;
	s21 =	simm.s32 $0x9A00;
	s20 =	simm.s32 $0xAA00  }
0x17d: {  	s19 =	simm.s32 $0xA200;
	s18 =	simm.s32 $0xC200;
	s17 =	simm.s32 $0xB200  }
.LBB2_4:
0x17e: {  	s22 =	simm.s32 $0x4A00;
	s23 =	simm.s32 $0x5200;
	s6 =	simm.s32 $0x5A00  }
.Ltmp5:
0x17f: {  	s31 =	simm.s32 $0x6200;
	s30 =	simm.s32 $0x6A00;
	(pc) =	sbr.rel .LBB2_7-.Ltmp5, $4  }
0x180: {  	s29 =	simm.s32 $0x7A00;
	s28 =	simm.s32 $0x7200;
	s26 =	simm.s32 $0x8200  }
0x181: {  	s25 =	simm.s32 $0x9200;
	s24 =	simm.s32 $0x8A00;
	s21 =	simm.s32 $0x9A00  }
0x182: {  	s20 =	simm.s32 $0xAA00;
	s19 =	simm.s32 $0xA200;
	s18 =	simm.s32 $0xC200  }
0x183: {  	s17 =	simm.s32 $0xB200;
	s9 =	rddreg [dreg:$0x2];
	s10 =	stileid.u32  }
.Lfunc_end2:
_tile_overlayer_lowered:
.L_overlay_start_2:
0x184: {  	(tag) =	ssettag $0x2  }
0x185: {  	s0 =	rddreg [dreg:$0x0];
	s2 =	stileid.u32  }
0x186: {  	s1 =	rddreg [dreg:$0x1];
	p0 =	sne.s32 s2, $0x0  }
0x187: {  	s3 =	rddreg [dreg:$0x2];
	[bflag:$0x3] =	sbarrier.arrive $0xFFFF;
	s2 =	simm.s32 @!p0 $0x1C02  }
0x188: {  	[timem:s3], [sflag:s2] =	dma.local @!p0 [hbm:s0], s1  }
0x189: {  	s0 =	simm.s32 @!p0 $0x2  }
0x18a: {  	_ =	swait.ge @!p0 [sflag:s0], s1  }
0x18b: {  	s1 =	ssub.s32 @!p0 $0x0, s1;
	[sflag:s0] =	ssyncset.done @!p0 $0x0  }
0x18c: {  	[sflag:s0] =	ssyncadd.s32 @!p0 s1  }
0x18d: {  	[bflag:$0x3] =	sbarrier.arrive $0xFFFF  }
0x18e: {  	_ =	shalt  }

</sc_bundles>
